<compile_context>
chip_gen: v7x
topology: tpu7x:2x2x1
jax: 0.10.2.dev20260603
libtpu: 0.0.44.dev20260713+nightly
codegen_flags: <defaults>
</compile_context>

<pallas_src>
import functools

import numpy as np

import jax
import jax.numpy as jnp
from jax import lax
from jax.experimental import pallas as pl
from jax.experimental.pallas import tpu as pltpu, tpu_sc as plsc

N_NODES = 10000
N_EDGES = 320000
NUM_GRAPHS = 128

NC = 2
NS = 16
NW = NC * NS
K = 128
CH = N_EDGES // K
CF = 90
CS = 67
CH_PAD = NS * (CF + CS)
E_PAD = CH_PAD * K
N_PAD = 10112
R = N_PAD // NS
DUMMY_ROW = N_NODES + 1

BM = 1000
GRID = N_NODES // BM


def _make_sc_segsum(D):
  mesh = plsc.VectorSubcoreMesh(core_axis_name="c", subcore_axis_name="s")

  @functools.partial(
      pl.kernel,
      out_type=jax.ShapeDtypeStruct((NC, N_PAD, D), jnp.float32),
      mesh=mesh,
      compiler_params=pltpu.CompilerParams(use_tc_tiling_on_sc=False),
      scratch_types=[
          pltpu.VMEM((CF, K), jnp.int32),
          pltpu.VMEM((CF, K), jnp.int32),
          pltpu.VMEM((K, D), jnp.float32),
          pltpu.VMEM_SHARED((N_PAD, D), jnp.float32),
          pltpu.SemaphoreType.DMA,
      ],
  )
  def seg(table_hbm, srcs_hbm, dsts_hbm, zeros_hbm, out_hbm,
          src_v, dst_v, rows_v, acc_sh, sem):
    c = lax.axis_index("c")
    s = lax.axis_index("s")
    wid = s * NC + c
    cnt = jnp.where(c == 0, CF, CS)

    pltpu.sync_copy(srcs_hbm.at[wid], src_v)
    pltpu.sync_copy(dsts_hbm.at[wid], dst_v)
    pltpu.sync_copy(zeros_hbm, acc_sh.at[pl.ds(s * R, R)])
    plsc.subcore_barrier()

    def body(j, carry):
      pltpu.async_copy(table_hbm.at[src_v.at[j]], rows_v, sem).wait()
      pltpu.sync_copy(rows_v, acc_sh.at[dst_v.at[j]], add=True)
      return carry

    lax.fori_loop(0, cnt, body, 0)
    plsc.subcore_barrier()
    pltpu.sync_copy(acc_sh.at[pl.ds(s * R, R)],
                    out_hbm.at[c, pl.ds(s * R, R)])

  return seg


_sc_segsum64 = _make_sc_segsum(64)
_sc_segsum128 = _make_sc_segsum(128)


def _dot(a, b):
  return lax.dot_general(a, b, (((1,), (0,)), ((), ())),
                         preferred_element_type=jnp.float32)


def _tc1_body(x_ref, ws_ref, bs_ref, wr_ref, wo_ref, b1_ref,
              table_ref, root_ref):
  h0 = _dot(x_ref[...], ws_ref[...]) + bs_ref[...]
  table_ref[...] = _dot(h0, wr_ref[...])
  root_ref[...] = _dot(h0, wo_ref[...]) + b1_ref[...]


def _tc1(x, ws, bs, wr, wo, b1):
  return pl.pallas_call(
      _tc1_body,
      grid=(GRID,),
      in_specs=[
          pl.BlockSpec((BM, 128), lambda i: (i, 0)),
          pl.BlockSpec((128, 128), lambda i: (0, 0)),
          pl.BlockSpec((1, 128), lambda i: (0, 0)),
          pl.BlockSpec((128, 64), lambda i: (0, 0)),
          pl.BlockSpec((128, 64), lambda i: (0, 0)),
          pl.BlockSpec((1, 64), lambda i: (0, 0)),
      ],
      out_specs=[
          pl.BlockSpec((BM, 64), lambda i: (i, 0)),
          pl.BlockSpec((BM, 64), lambda i: (i, 0)),
      ],
      out_shape=[
          jax.ShapeDtypeStruct((N_NODES, 64), jnp.float32),
          jax.ShapeDtypeStruct((N_NODES, 64), jnp.float32),
      ],
  )(x, ws, bs, wr, wo, b1)


def _tc2_body(agg_ref, root1_ref, wo2_ref, b2_ref, table_ref, root2_ref):
  h1 = jnp.maximum(agg_ref[0] + agg_ref[1] + root1_ref[...], 0.0)
  table_ref[...] = h1
  root2_ref[...] = _dot(h1, wo2_ref[...]) + b2_ref[...]


def _tc2(agg, root1, wo2, b2):
  return pl.pallas_call(
      _tc2_body,
      grid=(GRID,),
      in_specs=[
          pl.BlockSpec((NC, BM, 64), lambda i: (0, i, 0)),
          pl.BlockSpec((BM, 64), lambda i: (i, 0)),
          pl.BlockSpec((64, 128), lambda i: (0, 0)),
          pl.BlockSpec((1, 128), lambda i: (0, 0)),
      ],
      out_specs=[
          pl.BlockSpec((BM, 64), lambda i: (i, 0)),
          pl.BlockSpec((BM, 128), lambda i: (i, 0)),
      ],
      out_shape=[
          jax.ShapeDtypeStruct((N_NODES, 64), jnp.float32),
          jax.ShapeDtypeStruct((N_NODES, 128), jnp.float32),
      ],
  )(agg, root1, wo2, b2)


def _tc3_body(agg_ref, wr2_ref, root2_ref, wo3_ref, b3_ref,
              table_ref, root3_ref):
  h2 = jnp.maximum(_dot(agg_ref[0] + agg_ref[1], wr2_ref[...])
                   + root2_ref[...], 0.0)
  table_ref[...] = h2
  root3_ref[...] = _dot(h2, wo3_ref[...]) + b3_ref[...]


def _tc3(agg, wr2, root2, wo3, b3):
  return pl.pallas_call(
      _tc3_body,
      grid=(GRID,),
      in_specs=[
          pl.BlockSpec((NC, BM, 64), lambda i: (0, i, 0)),
          pl.BlockSpec((64, 128), lambda i: (0, 0)),
          pl.BlockSpec((BM, 128), lambda i: (i, 0)),
          pl.BlockSpec((128, 128), lambda i: (0, 0)),
          pl.BlockSpec((1, 128), lambda i: (0, 0)),
      ],
      out_specs=[
          pl.BlockSpec((BM, 128), lambda i: (i, 0)),
          pl.BlockSpec((BM, 128), lambda i: (i, 0)),
      ],
      out_shape=[
          jax.ShapeDtypeStruct((N_NODES, 128), jnp.float32),
          jax.ShapeDtypeStruct((N_NODES, 128), jnp.float32),
      ],
  )(agg, wr2, root2, wo3, b3)


def _tc4_body(agg_ref, wr3_ref, root3_ref, batch_ref, wl_ref, bl_ref,
              out_ref, pooled_acc, counts_acc):
  i = pl.program_id(0)

  @pl.when(i == 0)
  def _():
    pooled_acc[...] = jnp.zeros_like(pooled_acc)
    counts_acc[...] = jnp.zeros_like(counts_acc)

  h3 = jnp.maximum(_dot(agg_ref[0] + agg_ref[1], wr3_ref[...])
                   + root3_ref[...], 0.0)
  b = batch_ref[0, 0, :]
  cols = lax.broadcasted_iota(jnp.int32, (BM, NUM_GRAPHS), 1)
  p = (b[:, None] == cols).astype(jnp.float32)
  pooled_acc[...] += lax.dot_general(p, h3, (((0,), (0,)), ((), ())),
                                     preferred_element_type=jnp.float32)
  counts_acc[...] += lax.dot_general(
      p, jnp.ones((BM, NUM_GRAPHS), jnp.float32),
      (((0,), (0,)), ((), ())), preferred_element_type=jnp.float32)

  @pl.when(i == GRID - 1)
  def _():
    pooled = pooled_acc[...] / jnp.maximum(counts_acc[...], 1.0)
    out_ref[...] = _dot(pooled, wl_ref[...]) + bl_ref[...]


def _tc4(agg, wr3, root3, batch3d, wl, bl):
  return pl.pallas_call(
      _tc4_body,
      grid=(GRID,),
      in_specs=[
          pl.BlockSpec((NC, BM, 128), lambda i: (0, i, 0)),
          pl.BlockSpec((128, 128), lambda i: (0, 0)),
          pl.BlockSpec((BM, 128), lambda i: (i, 0)),
          pl.BlockSpec((1, 1, BM), lambda i: (i, 0, 0)),
          pl.BlockSpec((128, 10), lambda i: (0, 0)),
          pl.BlockSpec((1, 10), lambda i: (0, 0)),
      ],
      out_specs=pl.BlockSpec((NUM_GRAPHS, 10), lambda i: (0, 0)),
      out_shape=jax.ShapeDtypeStruct((NUM_GRAPHS, 10), jnp.float32),
      scratch_shapes=[
          pltpu.VMEM((NUM_GRAPHS, 128), jnp.float32),
          pltpu.VMEM((NUM_GRAPHS, NUM_GRAPHS), jnp.float32),
      ],
  )(agg, wr3, root3, batch3d, wl, bl)


def kernel(x, edge_index, batch, W_stage1, b_stage1, W_rel1, W_root1, b1,
           W_rel2, W_root2, b2, W_rel3, W_root3, b3, W_lin, b_lin):
  src = edge_index[0]
  dst = edge_index[1]
  pad = E_PAD - N_EDGES
  src_ch = jnp.concatenate(
      [src, jnp.zeros((pad,), jnp.int32)]).reshape(CH_PAD, K)
  dummy_dst = N_NODES + (jnp.arange(pad, dtype=jnp.int32) % (N_PAD - N_NODES))
  dst_ch = jnp.concatenate([dst, dummy_dst]).reshape(CH_PAD, K)
  cidx = np.full((NW, CF), CH_PAD - 1, np.int32)
  for t in range(NS):
    cidx[t * NC + 0, :] = np.arange(t * CF, (t + 1) * CF)
    cidx[t * NC + 1, :CS] = NS * CF + np.arange(t * CS, (t + 1) * CS)
  cidx = jnp.asarray(cidx)
  srcs = jnp.take(src_ch, cidx, axis=0)
  dsts = jnp.take(dst_ch, cidx, axis=0)
  z64 = jnp.zeros((R, 64), jnp.float32)
  z128 = jnp.zeros((R, 128), jnp.float32)
  batch3d = batch.reshape(GRID, 1, BM)

  bs = b_stage1.reshape(1, -1)
  b1r = b1.reshape(1, -1)
  b2r = b2.reshape(1, -1)
  b3r = b3.reshape(1, -1)
  blr = b_lin.reshape(1, -1)

  table1, root1 = _tc1(x, W_stage1, bs, W_rel1, W_root1, b1r)
  agg1 = _sc_segsum64(table1, srcs, dsts, z64)
  table2, root2 = _tc2(agg1, root1, W_root2, b2r)
  agg2 = _sc_segsum64(table2, srcs, dsts, z64)
  table3, root3 = _tc3(agg2, W_rel2, root2, W_root3, b3r)
  agg3 = _sc_segsum128(table3, srcs, dsts, z128)
  out = _tc4(agg3, W_rel3, root3, batch3d, W_lin, blr)
  return out

# --- scband reference (transcript-rebuilt; emitter-appended) ---
"""Pipeline reference for scband-gnn-34376918237435 (READ-ONLY COPY).

The authoritative reference and input builder live on the scoring server;
editing this copy changes nothing except your own understanding.
"""

import jax, jax.numpy as jnp
import numpy as np

N_NODES = 10000
N_EDGES = 320000
IN_DIM = 128
IN_CH = 128
HIDDEN = 64
OUT_CH = 128
NUM_CLS = 10
NUM_GRAPHS = 128


def setup_inputs(seed: int = 0) -> dict:
    key = jax.random.key(seed)
    ks = jax.random.split(key, 16)
    x = jax.random.normal(ks[0], (N_NODES, IN_DIM), dtype=jnp.float32)
    edge_index = jax.random.randint(ks[1], (2, N_EDGES), 0, N_NODES, dtype=jnp.int64 if jax.config.jax_enable_x64 else jnp.int32).astype(jnp.int32)
    batch = jnp.sort(jax.random.randint(ks[2], (N_NODES,), 0, NUM_GRAPHS, dtype=jnp.int32))
    s = 0.05
    W_stage1 = jax.random.normal(ks[3], (IN_DIM, IN_CH), dtype=jnp.float32) * s
    b_stage1 = jnp.zeros((IN_CH,), dtype=jnp.float32)
    W_rel1 = jax.random.normal(ks[4], (IN_CH, HIDDEN), dtype=jnp.float32) * s
    W_root1 = jax.random.normal(ks[5], (IN_CH, HIDDEN), dtype=jnp.float32) * s
    b1 = jnp.zeros((HIDDEN,), dtype=jnp.float32)
    W_rel2 = jax.random.normal(ks[6], (HIDDEN, 2 * HIDDEN), dtype=jnp.float32) * s
    W_root2 = jax.random.normal(ks[7], (HIDDEN, 2 * HIDDEN), dtype=jnp.float32) * s
    b2 = jnp.zeros((2 * HIDDEN,), dtype=jnp.float32)
    W_rel3 = jax.random.normal(ks[8], (2 * HIDDEN, OUT_CH), dtype=jnp.float32) * s
    W_root3 = jax.random.normal(ks[9], (2 * HIDDEN, OUT_CH), dtype=jnp.float32) * s
    b3 = jnp.zeros((OUT_CH,), dtype=jnp.float32)
    W_lin = jax.random.normal(ks[10], (OUT_CH, NUM_CLS), dtype=jnp.float32) * s
    b_lin = jnp.zeros((NUM_CLS,), dtype=jnp.float32)
    return {
        "x": x, "edge_index": edge_index, "batch": batch,
        "W_stage1": W_stage1, "b_stage1": b_stage1,
        "W_rel1": W_rel1, "W_root1": W_root1, "b1": b1,
        "W_rel2": W_rel2, "W_root2": W_root2, "b2": b2,
        "W_rel3": W_rel3, "W_root3": W_root3, "b3": b3,
        "W_lin": W_lin, "b_lin": b_lin,
    }


def _graph_conv(h, edge_index, W_rel, W_root, b):
    # PyG GraphConv with aggr='add': out_i = W_rel @ sum_{j in N(i)} x_j + W_root @ x_i + b
    src = edge_index[0]
    dst = edge_index[1]
    msg = jnp.take(h, src, axis=0)                        # gather (SparseCore)
    agg = jax.ops.segment_sum(msg, dst, num_segments=h.shape[0])  # scatter-add
    return agg @ W_rel + h @ W_root + b


def reference(x, edge_index, batch, W_stage1, b_stage1, W_rel1, W_root1, b1,
              W_rel2, W_root2, b2, W_rel3, W_root3, b3, W_lin, b_lin):
    h = x @ W_stage1 + b_stage1
    h = jax.nn.relu(_graph_conv(h, edge_index, W_rel1, W_root1, b1))
    h = jax.nn.relu(_graph_conv(h, edge_index, W_rel2, W_root2, b2))
    h = jax.nn.relu(_graph_conv(h, edge_index, W_rel3, W_root3, b3))
    # global_mean_pool over batch assignment
    sums = jax.ops.segment_sum(h, batch, num_segments=NUM_GRAPHS)
    counts = jax.ops.segment_sum(jnp.ones((h.shape[0],), dtype=h.dtype), batch, num_segments=NUM_GRAPHS)
    pooled = sums / jnp.maximum(counts, 1.0)[:, None]
    # F.dropout treated as identity (eval / deterministic reference)
    out = pooled @ W_lin + b_lin
    return out

if __name__ == "__main__":
    import jax
    _d = setup_inputs()
    print(jax.jit(kernel)(*tuple(_d.values())))

</pallas_src>

<mosaic_0001>
#map = affine_map<(d0, d1) -> (0, 0)>
#map1 = affine_map<(d0, d1) -> (0, 0, 0)>
module attributes {stable_mosaic.version = 14 : i64} {
  func.func @seg(%arg0: i32, %arg1: i32, %arg2: memref<10000x64xf32, #tpu.memory_space<hbm>>, %arg3: memref<32x90x128xi32, #tpu.memory_space<hbm>>, %arg4: memref<32x90x128xi32, #tpu.memory_space<hbm>>, %arg5: memref<632x64xf32, #tpu.memory_space<hbm>>, %arg6: memref<2x10112x64xf32, #tpu.memory_space<hbm>>, %arg7: memref<90x128xi32, #tpu.memory_space<vmem>>, %arg8: memref<90x128xi32, #tpu.memory_space<vmem>>, %arg9: memref<128x64xf32, #tpu.memory_space<vmem>>, %arg10: memref<10112x64xf32, #tpu.memory_space<vmem_shared>>, %arg11: memref<!tpu.dma_semaphore, #tpu.memory_space<semaphore_mem>>) attributes {dimension_semantics = [#tpu.dimension_semantics<core_parallel>, #tpu.dimension_semantics<subcore_parallel>], iteration_bounds = array<i64: 2, 16>, scalar_prefetch = 0 : i64, scratch_operands = 5 : i64, tpu.core_type = #tpu.core_type<sc_vector_subcore>, window_params = [{transform_indices = #map}, {transform_indices = #map1}, {transform_indices = #map1}, {transform_indices = #map}, {transform_indices = #map1}]} {
    %mul3A = arith.constant 2 : i32
    %mul3A_0 = arith.muli %arg1, %mul3A : i32
    %add3A = arith.addi %mul3A_0, %arg0 : i32
    %eq3A = arith.constant 0 : i32
    %eq3A_1 = arith.cmpi eq, %arg0, %eq3A : i32
    %jit3A = arith.constant 90 : i32
    %jit3A_2 = arith.constant 67 : i32
    %select_n3A = arith.select %eq3A_1, %jit3A, %jit3A_2 : i32
    "tpu.region"() ({
      %run_scoped3A = tpu.sem_alloc : memref<!tpu.dma_semaphore, #tpu.memory_space<semaphore_mem>>
      %dma_start3A = arith.constant 0 : i32
      %dma_start3A_19 = arith.constant 0 : i32
      %dma_start3A_20 = tpu.memref_slice %arg3[%add3A, %dma_start3A, %dma_start3A_19] : memref<32x90x128xi32, #tpu.memory_space<hbm>> -> memref<1x90x128xi32, #tpu.memory_space<hbm>>
      %dma_start3A_21 = tpu.memref_squeeze %dma_start3A_20 : memref<1x90x128xi32, #tpu.memory_space<hbm>> -> memref<90x128xi32, #tpu.memory_space<hbm>>
      %dma_start3A_22 = arith.constant 0 : i32
      %dma_start3A_23 = arith.constant 0 : i32
      %dma_start3A_24 = tpu.memref_slice %arg3[%add3A, %dma_start3A_22, %dma_start3A_23] : memref<32x90x128xi32, #tpu.memory_space<hbm>> -> memref<1x90x128xi32, #tpu.memory_space<hbm>>
      %dma_start3A_25 = tpu.memref_squeeze %dma_start3A_24 : memref<1x90x128xi32, #tpu.memory_space<hbm>> -> memref<90x128xi32, #tpu.memory_space<hbm>>
      tpu.enqueue_dma source(%dma_start3A_25 : memref<90x128xi32, #tpu.memory_space<hbm>>) target(%arg7 : memref<90x128xi32, #tpu.memory_space<vmem>>) target_semaphore(%run_scoped3A : memref<!tpu.dma_semaphore, #tpu.memory_space<semaphore_mem>>)
      %dma_wait3A = arith.constant 0 : i32
      %dma_wait3A_26 = arith.constant 0 : i32
      %dma_wait3A_27 = tpu.memref_slice %arg3[%add3A, %dma_wait3A, %dma_wait3A_26] : memref<32x90x128xi32, #tpu.memory_space<hbm>> -> memref<1x90x128xi32, #tpu.memory_space<hbm>>
      %dma_wait3A_28 = tpu.memref_squeeze %dma_wait3A_27 : memref<1x90x128xi32, #tpu.memory_space<hbm>> -> memref<90x128xi32, #tpu.memory_space<hbm>>
      %dma_wait3A_29 = arith.constant 0 : i32
      %dma_wait3A_30 = arith.constant 0 : i32
      %dma_wait3A_31 = tpu.memref_slice %arg3[%add3A, %dma_wait3A_29, %dma_wait3A_30] : memref<32x90x128xi32, #tpu.memory_space<hbm>> -> memref<1x90x128xi32, #tpu.memory_space<hbm>>
      %dma_wait3A_32 = tpu.memref_squeeze %dma_wait3A_31 : memref<1x90x128xi32, #tpu.memory_space<hbm>> -> memref<90x128xi32, #tpu.memory_space<hbm>>
      tpu.wait_dma2 semaphore(%run_scoped3A : memref<!tpu.dma_semaphore, #tpu.memory_space<semaphore_mem>>) src(%dma_wait3A_32 : memref<90x128xi32, #tpu.memory_space<hbm>>) dst(%arg7 : memref<90x128xi32, #tpu.memory_space<vmem>>)
      tpu.yield
    }) : () -> ()
    "tpu.region"() ({
      %run_scoped3A = tpu.sem_alloc : memref<!tpu.dma_semaphore, #tpu.memory_space<semaphore_mem>>
      %dma_start3A = arith.constant 0 : i32
      %dma_start3A_19 = arith.constant 0 : i32
      %dma_start3A_20 = tpu.memref_slice %arg4[%add3A, %dma_start3A, %dma_start3A_19] : memref<32x90x128xi32, #tpu.memory_space<hbm>> -> memref<1x90x128xi32, #tpu.memory_space<hbm>>
      %dma_start3A_21 = tpu.memref_squeeze %dma_start3A_20 : memref<1x90x128xi32, #tpu.memory_space<hbm>> -> memref<90x128xi32, #tpu.memory_space<hbm>>
      %dma_start3A_22 = arith.constant 0 : i32
      %dma_start3A_23 = arith.constant 0 : i32
      %dma_start3A_24 = tpu.memref_slice %arg4[%add3A, %dma_start3A_22, %dma_start3A_23] : memref<32x90x128xi32, #tpu.memory_space<hbm>> -> memref<1x90x128xi32, #tpu.memory_space<hbm>>
      %dma_start3A_25 = tpu.memref_squeeze %dma_start3A_24 : memref<1x90x128xi32, #tpu.memory_space<hbm>> -> memref<90x128xi32, #tpu.memory_space<hbm>>
      tpu.enqueue_dma source(%dma_start3A_25 : memref<90x128xi32, #tpu.memory_space<hbm>>) target(%arg8 : memref<90x128xi32, #tpu.memory_space<vmem>>) target_semaphore(%run_scoped3A : memref<!tpu.dma_semaphore, #tpu.memory_space<semaphore_mem>>)
      %dma_wait3A = arith.constant 0 : i32
      %dma_wait3A_26 = arith.constant 0 : i32
      %dma_wait3A_27 = tpu.memref_slice %arg4[%add3A, %dma_wait3A, %dma_wait3A_26] : memref<32x90x128xi32, #tpu.memory_space<hbm>> -> memref<1x90x128xi32, #tpu.memory_space<hbm>>
      %dma_wait3A_28 = tpu.memref_squeeze %dma_wait3A_27 : memref<1x90x128xi32, #tpu.memory_space<hbm>> -> memref<90x128xi32, #tpu.memory_space<hbm>>
      %dma_wait3A_29 = arith.constant 0 : i32
      %dma_wait3A_30 = arith.constant 0 : i32
      %dma_wait3A_31 = tpu.memref_slice %arg4[%add3A, %dma_wait3A_29, %dma_wait3A_30] : memref<32x90x128xi32, #tpu.memory_space<hbm>> -> memref<1x90x128xi32, #tpu.memory_space<hbm>>
      %dma_wait3A_32 = tpu.memref_squeeze %dma_wait3A_31 : memref<1x90x128xi32, #tpu.memory_space<hbm>> -> memref<90x128xi32, #tpu.memory_space<hbm>>
      tpu.wait_dma2 semaphore(%run_scoped3A : memref<!tpu.dma_semaphore, #tpu.memory_space<semaphore_mem>>) src(%dma_wait3A_32 : memref<90x128xi32, #tpu.memory_space<hbm>>) dst(%arg8 : memref<90x128xi32, #tpu.memory_space<vmem>>)
      tpu.yield
    }) : () -> ()
    %mul3A_3 = arith.constant 632 : i32
    %mul3A_4 = arith.muli %arg1, %mul3A_3 : i32
    "tpu.region"() ({
      %run_scoped3A = tpu.sem_alloc : memref<!tpu.dma_semaphore, #tpu.memory_space<semaphore_mem>>
      %dma_start3A = arith.constant 0 : i32
      %dma_start3A_19 = tpu.memref_slice %arg10[%mul3A_4, %dma_start3A] : memref<10112x64xf32, #tpu.memory_space<vmem_shared>> -> memref<632x64xf32, #tpu.memory_space<vmem_shared>>
      tpu.enqueue_dma source(%arg5 : memref<632x64xf32, #tpu.memory_space<hbm>>) target(%dma_start3A_19 : memref<632x64xf32, #tpu.memory_space<vmem_shared>>) target_semaphore(%run_scoped3A : memref<!tpu.dma_semaphore, #tpu.memory_space<semaphore_mem>>)
      %dma_wait3A = arith.constant 0 : i32
      %dma_wait3A_20 = tpu.memref_slice %arg10[%mul3A_4, %dma_wait3A] : memref<10112x64xf32, #tpu.memory_space<vmem_shared>> -> memref<632x64xf32, #tpu.memory_space<vmem_shared>>
      tpu.wait_dma2 semaphore(%run_scoped3A : memref<!tpu.dma_semaphore, #tpu.memory_space<semaphore_mem>>) src(%arg5 : memref<632x64xf32, #tpu.memory_space<hbm>>) dst(%dma_wait3A_20 : memref<632x64xf32, #tpu.memory_space<vmem_shared>>)
      tpu.yield
    }) : () -> ()
    %barrier3A = arith.constant 0 : index
    tpu.barrier barrier_id(%barrier3A)
    %while3A = arith.constant 0 : i32
    %while3A_5 = arith.constant 0 : i32
    %while3A_6 = arith.subi %select_n3A, %while3A_5 : i32
    %while3A_7 = arith.addi %while3A_5, %while3A_6 : i32
    %while3A_8 = arith.constant 1 : i32
    %while3A_9 = arith.divsi %while3A_6, %while3A_8 : i32
    %while3A_10 = arith.muli %while3A_9, %while3A_8 : i32
    %while3A_11 = arith.addi %while3A_5, %while3A_10 : i32
    %while3A_12 = arith.constant 1 : i32
    scf.for %while3A_19 = %while3A_5 to %while3A_11 step %while3A_12  : i32 {
      %dma_start3A = arith.constant 0 : i32
      %dma_start3A_20 = tpu.memref_slice %arg7[%while3A_19, %dma_start3A] : memref<90x128xi32, #tpu.memory_space<vmem>> -> memref<1x128xi32, #tpu.memory_space<vmem>>
      %dma_start3A_21 = tpu.memref_squeeze %dma_start3A_20 : memref<1x128xi32, #tpu.memory_space<vmem>> -> memref<128xi32, #tpu.memory_space<vmem>>
      %dma_start3A_22 = arith.constant 0 : i32
      %dma_start3A_23 = arith.constant 0 : i32
      %dma_start3A_24 = tpu.memref_slice %arg2[%dma_start3A_22, %dma_start3A_23] : memref<10000x64xf32, #tpu.memory_space<hbm>> -> memref<10000x64xf32, #tpu.memory_space<hbm>>
      tpu.enqueue_indirect_dma source(%dma_start3A_24 : memref<10000x64xf32, #tpu.memory_space<hbm>>) target(%arg9 : memref<128x64xf32, #tpu.memory_space<vmem>>) offsets(%dma_start3A_21 : memref<128xi32, #tpu.memory_space<vmem>>) semaphore(%arg11 : memref<!tpu.dma_semaphore, #tpu.memory_space<semaphore_mem>>)
      %dma_wait3A = arith.constant 0 : i32
      %dma_wait3A_25 = tpu.memref_slice %arg7[%while3A_19, %dma_wait3A] : memref<90x128xi32, #tpu.memory_space<vmem>> -> memref<1x128xi32, #tpu.memory_space<vmem>>
      %dma_wait3A_26 = tpu.memref_squeeze %dma_wait3A_25 : memref<1x128xi32, #tpu.memory_space<vmem>> -> memref<128xi32, #tpu.memory_space<vmem>>
      %dma_wait3A_27 = arith.constant 0 : i32
      %dma_wait3A_28 = arith.constant 0 : i32
      %dma_wait3A_29 = tpu.memref_slice %arg2[%dma_wait3A_27, %dma_wait3A_28] : memref<10000x64xf32, #tpu.memory_space<hbm>> -> memref<10000x64xf32, #tpu.memory_space<hbm>>
      tpu.wait_indirect_dma semaphore(%arg11 : memref<!tpu.dma_semaphore, #tpu.memory_space<semaphore_mem>>) src(%dma_wait3A_29 : memref<10000x64xf32, #tpu.memory_space<hbm>>) dst(%arg9 : memref<128x64xf32, #tpu.memory_space<vmem>>)
      "tpu.region"() ({
        %run_scoped3A = tpu.sem_alloc : memref<!tpu.dma_semaphore, #tpu.memory_space<semaphore_mem>>
        %dma_start3A_30 = arith.constant 0 : i32
        %dma_start3A_31 = tpu.memref_slice %arg8[%while3A_19, %dma_start3A_30] : memref<90x128xi32, #tpu.memory_space<vmem>> -> memref<1x128xi32, #tpu.memory_space<vmem>>
        %dma_start3A_32 = tpu.memref_squeeze %dma_start3A_31 : memref<1x128xi32, #tpu.memory_space<vmem>> -> memref<128xi32, #tpu.memory_space<vmem>>
        %dma_start3A_33 = arith.constant 0 : i32
        %dma_start3A_34 = arith.constant 0 : i32
        %dma_start3A_35 = tpu.memref_slice %arg10[%dma_start3A_33, %dma_start3A_34] : memref<10112x64xf32, #tpu.memory_space<vmem_shared>> -> memref<10112x64xf32, #tpu.memory_space<vmem_shared>>
        tpu.enqueue_indirect_dma source(%arg9 : memref<128x64xf32, #tpu.memory_space<vmem>>) target(%dma_start3A_35 : memref<10112x64xf32, #tpu.memory_space<vmem_shared>>) offsets(%dma_start3A_32 : memref<128xi32, #tpu.memory_space<vmem>>) semaphore(%run_scoped3A : memref<!tpu.dma_semaphore, #tpu.memory_space<semaphore_mem>>) {add = true}
        %dma_wait3A_36 = arith.constant 0 : i32
        %dma_wait3A_37 = tpu.memref_slice %arg8[%while3A_19, %dma_wait3A_36] : memref<90x128xi32, #tpu.memory_space<vmem>> -> memref<1x128xi32, #tpu.memory_space<vmem>>
        %dma_wait3A_38 = tpu.memref_squeeze %dma_wait3A_37 : memref<1x128xi32, #tpu.memory_space<vmem>> -> memref<128xi32, #tpu.memory_space<vmem>>
        %dma_wait3A_39 = arith.constant 0 : i32
        %dma_wait3A_40 = arith.constant 0 : i32
        %dma_wait3A_41 = tpu.memref_slice %arg10[%dma_wait3A_39, %dma_wait3A_40] : memref<10112x64xf32, #tpu.memory_space<vmem_shared>> -> memref<10112x64xf32, #tpu.memory_space<vmem_shared>>
        tpu.wait_indirect_dma semaphore(%run_scoped3A : memref<!tpu.dma_semaphore, #tpu.memory_space<semaphore_mem>>) src(%arg9 : memref<128x64xf32, #tpu.memory_space<vmem>>) dst(%dma_wait3A_41 : memref<10112x64xf32, #tpu.memory_space<vmem_shared>>)
        tpu.yield
      }) : () -> ()
    }
    %while3A_13 = arith.constant 1 : i32
    scf.for %while3A_19 = %while3A_11 to %while3A_7 step %while3A_13  : i32 {
      %dma_start3A = arith.constant 0 : i32
      %dma_start3A_20 = tpu.memref_slice %arg7[%while3A_19, %dma_start3A] : memref<90x128xi32, #tpu.memory_space<vmem>> -> memref<1x128xi32, #tpu.memory_space<vmem>>
      %dma_start3A_21 = tpu.memref_squeeze %dma_start3A_20 : memref<1x128xi32, #tpu.memory_space<vmem>> -> memref<128xi32, #tpu.memory_space<vmem>>
      %dma_start3A_22 = arith.constant 0 : i32
      %dma_start3A_23 = arith.constant 0 : i32
      %dma_start3A_24 = tpu.memref_slice %arg2[%dma_start3A_22, %dma_start3A_23] : memref<10000x64xf32, #tpu.memory_space<hbm>> -> memref<10000x64xf32, #tpu.memory_space<hbm>>
      tpu.enqueue_indirect_dma source(%dma_start3A_24 : memref<10000x64xf32, #tpu.memory_space<hbm>>) target(%arg9 : memref<128x64xf32, #tpu.memory_space<vmem>>) offsets(%dma_start3A_21 : memref<128xi32, #tpu.memory_space<vmem>>) semaphore(%arg11 : memref<!tpu.dma_semaphore, #tpu.memory_space<semaphore_mem>>)
      %dma_wait3A = arith.constant 0 : i32
      %dma_wait3A_25 = tpu.memref_slice %arg7[%while3A_19, %dma_wait3A] : memref<90x128xi32, #tpu.memory_space<vmem>> -> memref<1x128xi32, #tpu.memory_space<vmem>>
      %dma_wait3A_26 = tpu.memref_squeeze %dma_wait3A_25 : memref<1x128xi32, #tpu.memory_space<vmem>> -> memref<128xi32, #tpu.memory_space<vmem>>
      %dma_wait3A_27 = arith.constant 0 : i32
      %dma_wait3A_28 = arith.constant 0 : i32
      %dma_wait3A_29 = tpu.memref_slice %arg2[%dma_wait3A_27, %dma_wait3A_28] : memref<10000x64xf32, #tpu.memory_space<hbm>> -> memref<10000x64xf32, #tpu.memory_space<hbm>>
      tpu.wait_indirect_dma semaphore(%arg11 : memref<!tpu.dma_semaphore, #tpu.memory_space<semaphore_mem>>) src(%dma_wait3A_29 : memref<10000x64xf32, #tpu.memory_space<hbm>>) dst(%arg9 : memref<128x64xf32, #tpu.memory_space<vmem>>)
      "tpu.region"() ({
        %run_scoped3A = tpu.sem_alloc : memref<!tpu.dma_semaphore, #tpu.memory_space<semaphore_mem>>
        %dma_start3A_30 = arith.constant 0 : i32
        %dma_start3A_31 = tpu.memref_slice %arg8[%while3A_19, %dma_start3A_30] : memref<90x128xi32, #tpu.memory_space<vmem>> -> memref<1x128xi32, #tpu.memory_space<vmem>>
        %dma_start3A_32 = tpu.memref_squeeze %dma_start3A_31 : memref<1x128xi32, #tpu.memory_space<vmem>> -> memref<128xi32, #tpu.memory_space<vmem>>
        %dma_start3A_33 = arith.constant 0 : i32
        %dma_start3A_34 = arith.constant 0 : i32
        %dma_start3A_35 = tpu.memref_slice %arg10[%dma_start3A_33, %dma_start3A_34] : memref<10112x64xf32, #tpu.memory_space<vmem_shared>> -> memref<10112x64xf32, #tpu.memory_space<vmem_shared>>
        tpu.enqueue_indirect_dma source(%arg9 : memref<128x64xf32, #tpu.memory_space<vmem>>) target(%dma_start3A_35 : memref<10112x64xf32, #tpu.memory_space<vmem_shared>>) offsets(%dma_start3A_32 : memref<128xi32, #tpu.memory_space<vmem>>) semaphore(%run_scoped3A : memref<!tpu.dma_semaphore, #tpu.memory_space<semaphore_mem>>) {add = true}
        %dma_wait3A_36 = arith.constant 0 : i32
        %dma_wait3A_37 = tpu.memref_slice %arg8[%while3A_19, %dma_wait3A_36] : memref<90x128xi32, #tpu.memory_space<vmem>> -> memref<1x128xi32, #tpu.memory_space<vmem>>
        %dma_wait3A_38 = tpu.memref_squeeze %dma_wait3A_37 : memref<1x128xi32, #tpu.memory_space<vmem>> -> memref<128xi32, #tpu.memory_space<vmem>>
        %dma_wait3A_39 = arith.constant 0 : i32
        %dma_wait3A_40 = arith.constant 0 : i32
        %dma_wait3A_41 = tpu.memref_slice %arg10[%dma_wait3A_39, %dma_wait3A_40] : memref<10112x64xf32, #tpu.memory_space<vmem_shared>> -> memref<10112x64xf32, #tpu.memory_space<vmem_shared>>
        tpu.wait_indirect_dma semaphore(%run_scoped3A : memref<!tpu.dma_semaphore, #tpu.memory_space<semaphore_mem>>) src(%arg9 : memref<128x64xf32, #tpu.memory_space<vmem>>) dst(%dma_wait3A_41 : memref<10112x64xf32, #tpu.memory_space<vmem_shared>>)
        tpu.yield
      }) : () -> ()
    }
    %barrier3A_14 = arith.constant 0 : index
    tpu.barrier barrier_id(%barrier3A_14)
    %mul3A_15 = arith.constant 632 : i32
    %mul3A_16 = arith.muli %arg1, %mul3A_15 : i32
    %mul3A_17 = arith.constant 632 : i32
    %mul3A_18 = arith.muli %arg1, %mul3A_17 : i32
    "tpu.region"() ({
      %run_scoped3A = tpu.sem_alloc : memref<!tpu.dma_semaphore, #tpu.memory_space<semaphore_mem>>
      %dma_start3A = arith.constant 0 : i32
      %dma_start3A_19 = tpu.memref_slice %arg6[%arg0, %mul3A_18, %dma_start3A] : memref<2x10112x64xf32, #tpu.memory_space<hbm>> -> memref<1x632x64xf32, #tpu.memory_space<hbm>>
      %dma_start3A_20 = tpu.memref_squeeze %dma_start3A_19 : memref<1x632x64xf32, #tpu.memory_space<hbm>> -> memref<632x64xf32, #tpu.memory_space<hbm>>
      %dma_start3A_21 = arith.constant 0 : i32
      %dma_start3A_22 = tpu.memref_slice %arg10[%mul3A_16, %dma_start3A_21] : memref<10112x64xf32, #tpu.memory_space<vmem_shared>> -> memref<632x64xf32, #tpu.memory_space<vmem_shared>>
      tpu.enqueue_dma source(%dma_start3A_22 : memref<632x64xf32, #tpu.memory_space<vmem_shared>>) target(%dma_start3A_20 : memref<632x64xf32, #tpu.memory_space<hbm>>) target_semaphore(%run_scoped3A : memref<!tpu.dma_semaphore, #tpu.memory_space<semaphore_mem>>)
      %dma_wait3A = arith.constant 0 : i32
      %dma_wait3A_23 = tpu.memref_slice %arg6[%arg0, %mul3A_18, %dma_wait3A] : memref<2x10112x64xf32, #tpu.memory_space<hbm>> -> memref<1x632x64xf32, #tpu.memory_space<hbm>>
      %dma_wait3A_24 = tpu.memref_squeeze %dma_wait3A_23 : memref<1x632x64xf32, #tpu.memory_space<hbm>> -> memref<632x64xf32, #tpu.memory_space<hbm>>
      %dma_wait3A_25 = arith.constant 0 : i32
      %dma_wait3A_26 = tpu.memref_slice %arg10[%mul3A_16, %dma_wait3A_25] : memref<10112x64xf32, #tpu.memory_space<vmem_shared>> -> memref<632x64xf32, #tpu.memory_space<vmem_shared>>
      tpu.wait_dma2 semaphore(%run_scoped3A : memref<!tpu.dma_semaphore, #tpu.memory_space<semaphore_mem>>) src(%dma_wait3A_26 : memref<632x64xf32, #tpu.memory_space<vmem_shared>>) dst(%dma_wait3A_24 : memref<632x64xf32, #tpu.memory_space<hbm>>)
      tpu.yield
    }) : () -> ()
    return
  }
}

#map = affine_map<(d0, d1) -> (0, 0)>
#map1 = affine_map<(d0, d1) -> (0, 0, 0)>
module attributes {stable_mosaic.version = 14 : i64} {
  func.func @seg(%arg0: i32, %arg1: i32, %arg2: memref<10000x64xf32, #tpu.memory_space<hbm>>, %arg3: memref<32x90x128xi32, #tpu.memory_space<hbm>>, %arg4: memref<32x90x128xi32, #tpu.memory_space<hbm>>, %arg5: memref<632x64xf32, #tpu.memory_space<hbm>>, %arg6: memref<2x10112x64xf32, #tpu.memory_space<hbm>>, %arg7: memref<90x128xi32, #tpu.memory_space<vmem>>, %arg8: memref<90x128xi32, #tpu.memory_space<vmem>>, %arg9: memref<128x64xf32, #tpu.memory_space<vmem>>, %arg10: memref<10112x64xf32, #tpu.memory_space<vmem_shared>>, %arg11: memref<!tpu.dma_semaphore, #tpu.memory_space<semaphore_mem>>) attributes {dimension_semantics = [#tpu.dimension_semantics<core_parallel>, #tpu.dimension_semantics<subcore_parallel>], iteration_bounds = array<i64: 2, 16>, scalar_prefetch = 0 : i64, scratch_operands = 5 : i64, tpu.core_type = #tpu.core_type<sc_vector_subcore>, window_params = [{transform_indices = #map}, {transform_indices = #map1}, {transform_indices = #map1}, {transform_indices = #map}, {transform_indices = #map1}]} {
    %mul3A = arith.constant 2 : i32
    %mul3A_0 = arith.muli %arg1, %mul3A : i32
    %add3A = arith.addi %mul3A_0, %arg0 : i32
    %eq3A = arith.constant 0 : i32
    %eq3A_1 = arith.cmpi eq, %arg0, %eq3A : i32
    %jit3A = arith.constant 90 : i32
    %jit3A_2 = arith.constant 67 : i32
    %select_n3A = arith.select %eq3A_1, %jit3A, %jit3A_2 : i32
    "tpu.region"() ({
      %run_scoped3A = tpu.sem_alloc : memref<!tpu.dma_semaphore, #tpu.memory_space<semaphore_mem>>
      %dma_start3A = arith.constant 0 : i32
      %dma_start3A_19 = arith.constant 0 : i32
      %dma_start3A_20 = tpu.memref_slice %arg3[%add3A, %dma_start3A, %dma_start3A_19] : memref<32x90x128xi32, #tpu.memory_space<hbm>> -> memref<1x90x128xi32, #tpu.memory_space<hbm>>
      %dma_start3A_21 = tpu.memref_squeeze %dma_start3A_20 : memref<1x90x128xi32, #tpu.memory_space<hbm>> -> memref<90x128xi32, #tpu.memory_space<hbm>>
      %dma_start3A_22 = arith.constant 0 : i32
      %dma_start3A_23 = arith.constant 0 : i32
      %dma_start3A_24 = tpu.memref_slice %arg3[%add3A, %dma_start3A_22, %dma_start3A_23] : memref<32x90x128xi32, #tpu.memory_space<hbm>> -> memref<1x90x128xi32, #tpu.memory_space<hbm>>
      %dma_start3A_25 = tpu.memref_squeeze %dma_start3A_24 : memref<1x90x128xi32, #tpu.memory_space<hbm>> -> memref<90x128xi32, #tpu.memory_space<hbm>>
      tpu.enqueue_dma source(%dma_start3A_25 : memref<90x128xi32, #tpu.memory_space<hbm>>) target(%arg7 : memref<90x128xi32, #tpu.memory_space<vmem>>) target_semaphore(%run_scoped3A : memref<!tpu.dma_semaphore, #tpu.memory_space<semaphore_mem>>)
      %dma_wait3A = arith.constant 0 : i32
      %dma_wait3A_26 = arith.constant 0 : i32
      %dma_wait3A_27 = tpu.memref_slice %arg3[%add3A, %dma_wait3A, %dma_wait3A_26] : memref<32x90x128xi32, #tpu.memory_space<hbm>> -> memref<1x90x128xi32, #tpu.memory_space<hbm>>
      %dma_wait3A_28 = tpu.memref_squeeze %dma_wait3A_27 : memref<1x90x128xi32, #tpu.memory_space<hbm>> -> memref<90x128xi32, #tpu.memory_space<hbm>>
      %dma_wait3A_29 = arith.constant 0 : i32
      %dma_wait3A_30 = arith.constant 0 : i32
      %dma_wait3A_31 = tpu.memref_slice %arg3[%add3A, %dma_wait3A_29, %dma_wait3A_30] : memref<32x90x128xi32, #tpu.memory_space<hbm>> -> memref<1x90x128xi32, #tpu.memory_space<hbm>>
      %dma_wait3A_32 = tpu.memref_squeeze %dma_wait3A_31 : memref<1x90x128xi32, #tpu.memory_space<hbm>> -> memref<90x128xi32, #tpu.memory_space<hbm>>
      tpu.wait_dma2 semaphore(%run_scoped3A : memref<!tpu.dma_semaphore, #tpu.memory_space<semaphore_mem>>) src(%dma_wait3A_32 : memref<90x128xi32, #tpu.memory_space<hbm>>) dst(%arg7 : memref<90x128xi32, #tpu.memory_space<vmem>>)
      tpu.yield
    }) : () -> ()
    "tpu.region"() ({
      %run_scoped3A = tpu.sem_alloc : memref<!tpu.dma_semaphore, #tpu.memory_space<semaphore_mem>>
      %dma_start3A = arith.constant 0 : i32
      %dma_start3A_19 = arith.constant 0 : i32
      %dma_start3A_20 = tpu.memref_slice %arg4[%add3A, %dma_start3A, %dma_start3A_19] : memref<32x90x128xi32, #tpu.memory_space<hbm>> -> memref<1x90x128xi32, #tpu.memory_space<hbm>>
      %dma_start3A_21 = tpu.memref_squeeze %dma_start3A_20 : memref<1x90x128xi32, #tpu.memory_space<hbm>> -> memref<90x128xi32, #tpu.memory_space<hbm>>
      %dma_start3A_22 = arith.constant 0 : i32
      %dma_start3A_23 = arith.constant 0 : i32
      %dma_start3A_24 = tpu.memref_slice %arg4[%add3A, %dma_start3A_22, %dma_start3A_23] : memref<32x90x128xi32, #tpu.memory_space<hbm>> -> memref<1x90x128xi32, #tpu.memory_space<hbm>>
      %dma_start3A_25 = tpu.memref_squeeze %dma_start3A_24 : memref<1x90x128xi32, #tpu.memory_space<hbm>> -> memref<90x128xi32, #tpu.memory_space<hbm>>
      tpu.enqueue_dma source(%dma_start3A_25 : memref<90x128xi32, #tpu.memory_space<hbm>>) target(%arg8 : memref<90x128xi32, #tpu.memory_space<vmem>>) target_semaphore(%run_scoped3A : memref<!tpu.dma_semaphore, #tpu.memory_space<semaphore_mem>>)
      %dma_wait3A = arith.constant 0 : i32
      %dma_wait3A_26 = arith.constant 0 : i32
      %dma_wait3A_27 = tpu.memref_slice %arg4[%add3A, %dma_wait3A, %dma_wait3A_26] : memref<32x90x128xi32, #tpu.memory_space<hbm>> -> memref<1x90x128xi32, #tpu.memory_space<hbm>>
      %dma_wait3A_28 = tpu.memref_squeeze %dma_wait3A_27 : memref<1x90x128xi32, #tpu.memory_space<hbm>> -> memref<90x128xi32, #tpu.memory_space<hbm>>
      %dma_wait3A_29 = arith.constant 0 : i32
      %dma_wait3A_30 = arith.constant 0 : i32
      %dma_wait3A_31 = tpu.memref_slice %arg4[%add3A, %dma_wait3A_29, %dma_wait3A_30] : memref<32x90x128xi32, #tpu.memory_space<hbm>> -> memref<1x90x128xi32, #tpu.memory_space<hbm>>
      %dma_wait3A_32 = tpu.memref_squeeze %dma_wait3A_31 : memref<1x90x128xi32, #tpu.memory_space<hbm>> -> memref<90x128xi32, #tpu.memory_space<hbm>>
      tpu.wait_dma2 semaphore(%run_scoped3A : memref<!tpu.dma_semaphore, #tpu.memory_space<semaphore_mem>>) src(%dma_wait3A_32 : memref<90x128xi32, #tpu.memory_space<hbm>>) dst(%arg8 : memref<90x128xi32, #tpu.memory_space<vmem>>)
      tpu.yield
    }) : () -> ()
    %mul3A_3 = arith.constant 632 : i32
    %mul3A_4 = arith.muli %arg1, %mul3A_3 : i32
    "tpu.region"() ({
      %run_scoped3A = tpu.sem_alloc : memref<!tpu.dma_semaphore, #tpu.memory_space<semaphore_mem>>
      %dma_start3A = arith.constant 0 : i32
      %dma_start3A_19 = tpu.memref_slice %arg10[%mul3A_4, %dma_start3A] : memref<10112x64xf32, #tpu.memory_space<vmem_shared>> -> memref<632x64xf32, #tpu.memory_space<vmem_shared>>
      tpu.enqueue_dma source(%arg5 : memref<632x64xf32, #tpu.memory_space<hbm>>) target(%dma_start3A_19 : memref<632x64xf32, #tpu.memory_space<vmem_shared>>) target_semaphore(%run_scoped3A : memref<!tpu.dma_semaphore, #tpu.memory_space<semaphore_mem>>)
      %dma_wait3A = arith.constant 0 : i32
      %dma_wait3A_20 = tpu.memref_slice %arg10[%mul3A_4, %dma_wait3A] : memref<10112x64xf32, #tpu.memory_space<vmem_shared>> -> memref<632x64xf32, #tpu.memory_space<vmem_shared>>
      tpu.wait_dma2 semaphore(%run_scoped3A : memref<!tpu.dma_semaphore, #tpu.memory_space<semaphore_mem>>) src(%arg5 : memref<632x64xf32, #tpu.memory_space<hbm>>) dst(%dma_wait3A_20 : memref<632x64xf32, #tpu.memory_space<vmem_shared>>)
      tpu.yield
    }) : () -> ()
    %barrier3A = arith.constant 0 : index
    tpu.barrier barrier_id(%barrier3A)
    %while3A = arith.constant 0 : i32
    %while3A_5 = arith.constant 0 : i32
    %while3A_6 = arith.subi %select_n3A, %while3A_5 : i32
    %while3A_7 = arith.addi %while3A_5, %while3A_6 : i32
    %while3A_8 = arith.constant 1 : i32
    %while3A_9 = arith.divsi %while3A_6, %while3A_8 : i32
    %while3A_10 = arith.muli %while3A_9, %while3A_8 : i32
    %while3A_11 = arith.addi %while3A_5, %while3A_10 : i32
    %while3A_12 = arith.constant 1 : i32
    scf.for %while3A_19 = %while3A_5 to %while3A_11 step %while3A_12  : i32 {
      %dma_start3A = arith.constant 0 : i32
      %dma_start3A_20 = tpu.memref_slice %arg7[%while3A_19, %dma_start3A] : memref<90x128xi32, #tpu.memory_space<vmem>> -> memref<1x128xi32, #tpu.memory_space<vmem>>
      %dma_start3A_21 = tpu.memref_squeeze %dma_start3A_20 : memref<1x128xi32, #tpu.memory_space<vmem>> -> memref<128xi32, #tpu.memory_space<vmem>>
      %dma_start3A_22 = arith.constant 0 : i32
      %dma_start3A_23 = arith.constant 0 : i32
      %dma_start3A_24 = tpu.memref_slice %arg2[%dma_start3A_22, %dma_start3A_23] : memref<10000x64xf32, #tpu.memory_space<hbm>> -> memref<10000x64xf32, #tpu.memory_space<hbm>>
      tpu.enqueue_indirect_dma source(%dma_start3A_24 : memref<10000x64xf32, #tpu.memory_space<hbm>>) target(%arg9 : memref<128x64xf32, #tpu.memory_space<vmem>>) offsets(%dma_start3A_21 : memref<128xi32, #tpu.memory_space<vmem>>) semaphore(%arg11 : memref<!tpu.dma_semaphore, #tpu.memory_space<semaphore_mem>>)
      %dma_wait3A = arith.constant 0 : i32
      %dma_wait3A_25 = tpu.memref_slice %arg7[%while3A_19, %dma_wait3A] : memref<90x128xi32, #tpu.memory_space<vmem>> -> memref<1x128xi32, #tpu.memory_space<vmem>>
      %dma_wait3A_26 = tpu.memref_squeeze %dma_wait3A_25 : memref<1x128xi32, #tpu.memory_space<vmem>> -> memref<128xi32, #tpu.memory_space<vmem>>
      %dma_wait3A_27 = arith.constant 0 : i32
      %dma_wait3A_28 = arith.constant 0 : i32
      %dma_wait3A_29 = tpu.memref_slice %arg2[%dma_wait3A_27, %dma_wait3A_28] : memref<10000x64xf32, #tpu.memory_space<hbm>> -> memref<10000x64xf32, #tpu.memory_space<hbm>>
      tpu.wait_indirect_dma semaphore(%arg11 : memref<!tpu.dma_semaphore, #tpu.memory_space<semaphore_mem>>) src(%dma_wait3A_29 : memref<10000x64xf32, #tpu.memory_space<hbm>>) dst(%arg9 : memref<128x64xf32, #tpu.memory_space<vmem>>)
      "tpu.region"() ({
        %run_scoped3A = tpu.sem_alloc : memref<!tpu.dma_semaphore, #tpu.memory_space<semaphore_mem>>
        %dma_start3A_30 = arith.constant 0 : i32
        %dma_start3A_31 = tpu.memref_slice %arg8[%while3A_19, %dma_start3A_30] : memref<90x128xi32, #tpu.memory_space<vmem>> -> memref<1x128xi32, #tpu.memory_space<vmem>>
        %dma_start3A_32 = tpu.memref_squeeze %dma_start3A_31 : memref<1x128xi32, #tpu.memory_space<vmem>> -> memref<128xi32, #tpu.memory_space<vmem>>
        %dma_start3A_33 = arith.constant 0 : i32
        %dma_start3A_34 = arith.constant 0 : i32
        %dma_start3A_35 = tpu.memref_slice %arg10[%dma_start3A_33, %dma_start3A_34] : memref<10112x64xf32, #tpu.memory_space<vmem_shared>> -> memref<10112x64xf32, #tpu.memory_space<vmem_shared>>
        tpu.enqueue_indirect_dma source(%arg9 : memref<128x64xf32, #tpu.memory_space<vmem>>) target(%dma_start3A_35 : memref<10112x64xf32, #tpu.memory_space<vmem_shared>>) offsets(%dma_start3A_32 : memref<128xi32, #tpu.memory_space<vmem>>) semaphore(%run_scoped3A : memref<!tpu.dma_semaphore, #tpu.memory_space<semaphore_mem>>) {add = true}
        %dma_wait3A_36 = arith.constant 0 : i32
        %dma_wait3A_37 = tpu.memref_slice %arg8[%while3A_19, %dma_wait3A_36] : memref<90x128xi32, #tpu.memory_space<vmem>> -> memref<1x128xi32, #tpu.memory_space<vmem>>
        %dma_wait3A_38 = tpu.memref_squeeze %dma_wait3A_37 : memref<1x128xi32, #tpu.memory_space<vmem>> -> memref<128xi32, #tpu.memory_space<vmem>>
        %dma_wait3A_39 = arith.constant 0 : i32
        %dma_wait3A_40 = arith.constant 0 : i32
        %dma_wait3A_41 = tpu.memref_slice %arg10[%dma_wait3A_39, %dma_wait3A_40] : memref<10112x64xf32, #tpu.memory_space<vmem_shared>> -> memref<10112x64xf32, #tpu.memory_space<vmem_shared>>
        tpu.wait_indirect_dma semaphore(%run_scoped3A : memref<!tpu.dma_semaphore, #tpu.memory_space<semaphore_mem>>) src(%arg9 : memref<128x64xf32, #tpu.memory_space<vmem>>) dst(%dma_wait3A_41 : memref<10112x64xf32, #tpu.memory_space<vmem_shared>>)
        tpu.yield
      }) : () -> ()
    }
    %while3A_13 = arith.constant 1 : i32
    scf.for %while3A_19 = %while3A_11 to %while3A_7 step %while3A_13  : i32 {
      %dma_start3A = arith.constant 0 : i32
      %dma_start3A_20 = tpu.memref_slice %arg7[%while3A_19, %dma_start3A] : memref<90x128xi32, #tpu.memory_space<vmem>> -> memref<1x128xi32, #tpu.memory_space<vmem>>
      %dma_start3A_21 = tpu.memref_squeeze %dma_start3A_20 : memref<1x128xi32, #tpu.memory_space<vmem>> -> memref<128xi32, #tpu.memory_space<vmem>>
      %dma_start3A_22 = arith.constant 0 : i32
      %dma_start3A_23 = arith.constant 0 : i32
      %dma_start3A_24 = tpu.memref_slice %arg2[%dma_start3A_22, %dma_start3A_23] : memref<10000x64xf32, #tpu.memory_space<hbm>> -> memref<10000x64xf32, #tpu.memory_space<hbm>>
      tpu.enqueue_indirect_dma source(%dma_start3A_24 : memref<10000x64xf32, #tpu.memory_space<hbm>>) target(%arg9 : memref<128x64xf32, #tpu.memory_space<vmem>>) offsets(%dma_start3A_21 : memref<128xi32, #tpu.memory_space<vmem>>) semaphore(%arg11 : memref<!tpu.dma_semaphore, #tpu.memory_space<semaphore_mem>>)
      %dma_wait3A = arith.constant 0 : i32
      %dma_wait3A_25 = tpu.memref_slice %arg7[%while3A_19, %dma_wait3A] : memref<90x128xi32, #tpu.memory_space<vmem>> -> memref<1x128xi32, #tpu.memory_space<vmem>>
      %dma_wait3A_26 = tpu.memref_squeeze %dma_wait3A_25 : memref<1x128xi32, #tpu.memory_space<vmem>> -> memref<128xi32, #tpu.memory_space<vmem>>
      %dma_wait3A_27 = arith.constant 0 : i32
      %dma_wait3A_28 = arith.constant 0 : i32
      %dma_wait3A_29 = tpu.memref_slice %arg2[%dma_wait3A_27, %dma_wait3A_28] : memref<10000x64xf32, #tpu.memory_space<hbm>> -> memref<10000x64xf32, #tpu.memory_space<hbm>>
      tpu.wait_indirect_dma semaphore(%arg11 : memref<!tpu.dma_semaphore, #tpu.memory_space<semaphore_mem>>) src(%dma_wait3A_29 : memref<10000x64xf32, #tpu.memory_space<hbm>>) dst(%arg9 : memref<128x64xf32, #tpu.memory_space<vmem>>)
      "tpu.region"() ({
        %run_scoped3A = tpu.sem_alloc : memref<!tpu.dma_semaphore, #tpu.memory_space<semaphore_mem>>
        %dma_start3A_30 = arith.constant 0 : i32
        %dma_start3A_31 = tpu.memref_slice %arg8[%while3A_19, %dma_start3A_30] : memref<90x128xi32, #tpu.memory_space<vmem>> -> memref<1x128xi32, #tpu.memory_space<vmem>>
        %dma_start3A_32 = tpu.memref_squeeze %dma_start3A_31 : memref<1x128xi32, #tpu.memory_space<vmem>> -> memref<128xi32, #tpu.memory_space<vmem>>
        %dma_start3A_33 = arith.constant 0 : i32
        %dma_start3A_34 = arith.constant 0 : i32
        %dma_start3A_35 = tpu.memref_slice %arg10[%dma_start3A_33, %dma_start3A_34] : memref<10112x64xf32, #tpu.memory_space<vmem_shared>> -> memref<10112x64xf32, #tpu.memory_space<vmem_shared>>
        tpu.enqueue_indirect_dma source(%arg9 : memref<128x64xf32, #tpu.memory_space<vmem>>) target(%dma_start3A_35 : memref<10112x64xf32, #tpu.memory_space<vmem_shared>>) offsets(%dma_start3A_32 : memref<128xi32, #tpu.memory_space<vmem>>) semaphore(%run_scoped3A : memref<!tpu.dma_semaphore, #tpu.memory_space<semaphore_mem>>) {add = true}
        %dma_wait3A_36 = arith.constant 0 : i32
        %dma_wait3A_37 = tpu.memref_slice %arg8[%while3A_19, %dma_wait3A_36] : memref<90x128xi32, #tpu.memory_space<vmem>> -> memref<1x128xi32, #tpu.memory_space<vmem>>
        %dma_wait3A_38 = tpu.memref_squeeze %dma_wait3A_37 : memref<1x128xi32, #tpu.memory_space<vmem>> -> memref<128xi32, #tpu.memory_space<vmem>>
        %dma_wait3A_39 = arith.constant 0 : i32
        %dma_wait3A_40 = arith.constant 0 : i32
        %dma_wait3A_41 = tpu.memref_slice %arg10[%dma_wait3A_39, %dma_wait3A_40] : memref<10112x64xf32, #tpu.memory_space<vmem_shared>> -> memref<10112x64xf32, #tpu.memory_space<vmem_shared>>
        tpu.wait_indirect_dma semaphore(%run_scoped3A : memref<!tpu.dma_semaphore, #tpu.memory_space<semaphore_mem>>) src(%arg9 : memref<128x64xf32, #tpu.memory_space<vmem>>) dst(%dma_wait3A_41 : memref<10112x64xf32, #tpu.memory_space<vmem_shared>>)
        tpu.yield
      }) : () -> ()
    }
    %barrier3A_14 = arith.constant 0 : index
    tpu.barrier barrier_id(%barrier3A_14)
    %mul3A_15 = arith.constant 632 : i32
    %mul3A_16 = arith.muli %arg1, %mul3A_15 : i32
    %mul3A_17 = arith.constant 632 : i32
    %mul3A_18 = arith.muli %arg1, %mul3A_17 : i32
    "tpu.region"() ({
      %run_scoped3A = tpu.sem_alloc : memref<!tpu.dma_semaphore, #tpu.memory_space<semaphore_mem>>
      %dma_start3A = arith.constant 0 : i32
      %dma_start3A_19 = tpu.memref_slice %arg6[%arg0, %mul3A_18, %dma_start3A] : memref<2x10112x64xf32, #tpu.memory_space<hbm>> -> memref<1x632x64xf32, #tpu.memory_space<hbm>>
      %dma_start3A_20 = tpu.memref_squeeze %dma_start3A_19 : memref<1x632x64xf32, #tpu.memory_space<hbm>> -> memref<632x64xf32, #tpu.memory_space<hbm>>
      %dma_start3A_21 = arith.constant 0 : i32
      %dma_start3A_22 = tpu.memref_slice %arg10[%mul3A_16, %dma_start3A_21] : memref<10112x64xf32, #tpu.memory_space<vmem_shared>> -> memref<632x64xf32, #tpu.memory_space<vmem_shared>>
      tpu.enqueue_dma source(%dma_start3A_22 : memref<632x64xf32, #tpu.memory_space<vmem_shared>>) target(%dma_start3A_20 : memref<632x64xf32, #tpu.memory_space<hbm>>) target_semaphore(%run_scoped3A : memref<!tpu.dma_semaphore, #tpu.memory_space<semaphore_mem>>)
      %dma_wait3A = arith.constant 0 : i32
      %dma_wait3A_23 = tpu.memref_slice %arg6[%arg0, %mul3A_18, %dma_wait3A] : memref<2x10112x64xf32, #tpu.memory_space<hbm>> -> memref<1x632x64xf32, #tpu.memory_space<hbm>>
      %dma_wait3A_24 = tpu.memref_squeeze %dma_wait3A_23 : memref<1x632x64xf32, #tpu.memory_space<hbm>> -> memref<632x64xf32, #tpu.memory_space<hbm>>
      %dma_wait3A_25 = arith.constant 0 : i32
      %dma_wait3A_26 = tpu.memref_slice %arg10[%mul3A_16, %dma_wait3A_25] : memref<10112x64xf32, #tpu.memory_space<vmem_shared>> -> memref<632x64xf32, #tpu.memory_space<vmem_shared>>
      tpu.wait_dma2 semaphore(%run_scoped3A : memref<!tpu.dma_semaphore, #tpu.memory_space<semaphore_mem>>) src(%dma_wait3A_26 : memref<632x64xf32, #tpu.memory_space<vmem_shared>>) dst(%dma_wait3A_24 : memref<632x64xf32, #tpu.memory_space<hbm>>)
      tpu.yield
    }) : () -> ()
    return
  }
}

#map = affine_map<(d0, d1) -> (0, 0)>
#map1 = affine_map<(d0, d1) -> (0, 0, 0)>
module attributes {stable_mosaic.version = 14 : i64} {
  func.func @seg(%arg0: i32, %arg1: i32, %arg2: memref<10000x128xf32, #tpu.memory_space<hbm>>, %arg3: memref<32x90x128xi32, #tpu.memory_space<hbm>>, %arg4: memref<32x90x128xi32, #tpu.memory_space<hbm>>, %arg5: memref<632x128xf32, #tpu.memory_space<hbm>>, %arg6: memref<2x10112x128xf32, #tpu.memory_space<hbm>>, %arg7: memref<90x128xi32, #tpu.memory_space<vmem>>, %arg8: memref<90x128xi32, #tpu.memory_space<vmem>>, %arg9: memref<128x128xf32, #tpu.memory_space<vmem>>, %arg10: memref<10112x128xf32, #tpu.memory_space<vmem_shared>>, %arg11: memref<!tpu.dma_semaphore, #tpu.memory_space<semaphore_mem>>) attributes {dimension_semantics = [#tpu.dimension_semantics<core_parallel>, #tpu.dimension_semantics<subcore_parallel>], iteration_bounds = array<i64: 2, 16>, scalar_prefetch = 0 : i64, scratch_operands = 5 : i64, tpu.core_type = #tpu.core_type<sc_vector_subcore>, window_params = [{transform_indices = #map}, {transform_indices = #map1}, {transform_indices = #map1}, {transform_indices = #map}, {transform_indices = #map1}]} {
    %mul3A = arith.constant 2 : i32
    %mul3A_0 = arith.muli %arg1, %mul3A : i32
    %add3A = arith.addi %mul3A_0, %arg0 : i32
    %eq3A = arith.constant 0 : i32
    %eq3A_1 = arith.cmpi eq, %arg0, %eq3A : i32
    %jit3A = arith.constant 90 : i32
    %jit3A_2 = arith.constant 67 : i32
    %select_n3A = arith.select %eq3A_1, %jit3A, %jit3A_2 : i32
    "tpu.region"() ({
      %run_scoped3A = tpu.sem_alloc : memref<!tpu.dma_semaphore, #tpu.memory_space<semaphore_mem>>
      %dma_start3A = arith.constant 0 : i32
      %dma_start3A_19 = arith.constant 0 : i32
      %dma_start3A_20 = tpu.memref_slice %arg3[%add3A, %dma_start3A, %dma_start3A_19] : memref<32x90x128xi32, #tpu.memory_space<hbm>> -> memref<1x90x128xi32, #tpu.memory_space<hbm>>
      %dma_start3A_21 = tpu.memref_squeeze %dma_start3A_20 : memref<1x90x128xi32, #tpu.memory_space<hbm>> -> memref<90x128xi32, #tpu.memory_space<hbm>>
      %dma_start3A_22 = arith.constant 0 : i32
      %dma_start3A_23 = arith.constant 0 : i32
      %dma_start3A_24 = tpu.memref_slice %arg3[%add3A, %dma_start3A_22, %dma_start3A_23] : memref<32x90x128xi32, #tpu.memory_space<hbm>> -> memref<1x90x128xi32, #tpu.memory_space<hbm>>
      %dma_start3A_25 = tpu.memref_squeeze %dma_start3A_24 : memref<1x90x128xi32, #tpu.memory_space<hbm>> -> memref<90x128xi32, #tpu.memory_space<hbm>>
      tpu.enqueue_dma source(%dma_start3A_25 : memref<90x128xi32, #tpu.memory_space<hbm>>) target(%arg7 : memref<90x128xi32, #tpu.memory_space<vmem>>) target_semaphore(%run_scoped3A : memref<!tpu.dma_semaphore, #tpu.memory_space<semaphore_mem>>)
      %dma_wait3A = arith.constant 0 : i32
      %dma_wait3A_26 = arith.constant 0 : i32
      %dma_wait3A_27 = tpu.memref_slice %arg3[%add3A, %dma_wait3A, %dma_wait3A_26] : memref<32x90x128xi32, #tpu.memory_space<hbm>> -> memref<1x90x128xi32, #tpu.memory_space<hbm>>
      %dma_wait3A_28 = tpu.memref_squeeze %dma_wait3A_27 : memref<1x90x128xi32, #tpu.memory_space<hbm>> -> memref<90x128xi32, #tpu.memory_space<hbm>>
      %dma_wait3A_29 = arith.constant 0 : i32
      %dma_wait3A_30 = arith.constant 0 : i32
      %dma_wait3A_31 = tpu.memref_slice %arg3[%add3A, %dma_wait3A_29, %dma_wait3A_30] : memref<32x90x128xi32, #tpu.memory_space<hbm>> -> memref<1x90x128xi32, #tpu.memory_space<hbm>>
      %dma_wait3A_32 = tpu.memref_squeeze %dma_wait3A_31 : memref<1x90x128xi32, #tpu.memory_space<hbm>> -> memref<90x128xi32, #tpu.memory_space<hbm>>
      tpu.wait_dma2 semaphore(%run_scoped3A : memref<!tpu.dma_semaphore, #tpu.memory_space<semaphore_mem>>) src(%dma_wait3A_32 : memref<90x128xi32, #tpu.memory_space<hbm>>) dst(%arg7 : memref<90x128xi32, #tpu.memory_space<vmem>>)
      tpu.yield
    }) : () -> ()
    "tpu.region"() ({
      %run_scoped3A = tpu.sem_alloc : memref<!tpu.dma_semaphore, #tpu.memory_space<semaphore_mem>>
      %dma_start3A = arith.constant 0 : i32
      %dma_start3A_19 = arith.constant 0 : i32
      %dma_start3A_20 = tpu.memref_slice %arg4[%add3A, %dma_start3A, %dma_start3A_19] : memref<32x90x128xi32, #tpu.memory_space<hbm>> -> memref<1x90x128xi32, #tpu.memory_space<hbm>>
      %dma_start3A_21 = tpu.memref_squeeze %dma_start3A_20 : memref<1x90x128xi32, #tpu.memory_space<hbm>> -> memref<90x128xi32, #tpu.memory_space<hbm>>
      %dma_start3A_22 = arith.constant 0 : i32
      %dma_start3A_23 = arith.constant 0 : i32
      %dma_start3A_24 = tpu.memref_slice %arg4[%add3A, %dma_start3A_22, %dma_start3A_23] : memref<32x90x128xi32, #tpu.memory_space<hbm>> -> memref<1x90x128xi32, #tpu.memory_space<hbm>>
      %dma_start3A_25 = tpu.memref_squeeze %dma_start3A_24 : memref<1x90x128xi32, #tpu.memory_space<hbm>> -> memref<90x128xi32, #tpu.memory_space<hbm>>
      tpu.enqueue_dma source(%dma_start3A_25 : memref<90x128xi32, #tpu.memory_space<hbm>>) target(%arg8 : memref<90x128xi32, #tpu.memory_space<vmem>>) target_semaphore(%run_scoped3A : memref<!tpu.dma_semaphore, #tpu.memory_space<semaphore_mem>>)
      %dma_wait3A = arith.constant 0 : i32
      %dma_wait3A_26 = arith.constant 0 : i32
      %dma_wait3A_27 = tpu.memref_slice %arg4[%add3A, %dma_wait3A, %dma_wait3A_26] : memref<32x90x128xi32, #tpu.memory_space<hbm>> -> memref<1x90x128xi32, #tpu.memory_space<hbm>>
      %dma_wait3A_28 = tpu.memref_squeeze %dma_wait3A_27 : memref<1x90x128xi32, #tpu.memory_space<hbm>> -> memref<90x128xi32, #tpu.memory_space<hbm>>
      %dma_wait3A_29 = arith.constant 0 : i32
      %dma_wait3A_30 = arith.constant 0 : i32
      %dma_wait3A_31 = tpu.memref_slice %arg4[%add3A, %dma_wait3A_29, %dma_wait3A_30] : memref<32x90x128xi32, #tpu.memory_space<hbm>> -> memref<1x90x128xi32, #tpu.memory_space<hbm>>
      %dma_wait3A_32 = tpu.memref_squeeze %dma_wait3A_31 : memref<1x90x128xi32, #tpu.memory_space<hbm>> -> memref<90x128xi32, #tpu.memory_space<hbm>>
      tpu.wait_dma2 semaphore(%run_scoped3A : memref<!tpu.dma_semaphore, #tpu.memory_space<semaphore_mem>>) src(%dma_wait3A_32 : memref<90x128xi32, #tpu.memory_space<hbm>>) dst(%arg8 : memref<90x128xi32, #tpu.memory_space<vmem>>)
      tpu.yield
    }) : () -> ()
    %mul3A_3 = arith.constant 632 : i32
    %mul3A_4 = arith.muli %arg1, %mul3A_3 : i32
    "tpu.region"() ({
      %run_scoped3A = tpu.sem_alloc : memref<!tpu.dma_semaphore, #tpu.memory_space<semaphore_mem>>
      %dma_start3A = arith.constant 0 : i32
      %dma_start3A_19 = tpu.memref_slice %arg10[%mul3A_4, %dma_start3A] : memref<10112x128xf32, #tpu.memory_space<vmem_shared>> -> memref<632x128xf32, #tpu.memory_space<vmem_shared>>
      tpu.enqueue_dma source(%arg5 : memref<632x128xf32, #tpu.memory_space<hbm>>) target(%dma_start3A_19 : memref<632x128xf32, #tpu.memory_space<vmem_shared>>) target_semaphore(%run_scoped3A : memref<!tpu.dma_semaphore, #tpu.memory_space<semaphore_mem>>)
      %dma_wait3A = arith.constant 0 : i32
      %dma_wait3A_20 = tpu.memref_slice %arg10[%mul3A_4, %dma_wait3A] : memref<10112x128xf32, #tpu.memory_space<vmem_shared>> -> memref<632x128xf32, #tpu.memory_space<vmem_shared>>
      tpu.wait_dma2 semaphore(%run_scoped3A : memref<!tpu.dma_semaphore, #tpu.memory_space<semaphore_mem>>) src(%arg5 : memref<632x128xf32, #tpu.memory_space<hbm>>) dst(%dma_wait3A_20 : memref<632x128xf32, #tpu.memory_space<vmem_shared>>)
      tpu.yield
    }) : () -> ()
    %barrier3A = arith.constant 0 : index
    tpu.barrier barrier_id(%barrier3A)
    %while3A = arith.constant 0 : i32
    %while3A_5 = arith.constant 0 : i32
    %while3A_6 = arith.subi %select_n3A, %while3A_5 : i32
    %while3A_7 = arith.addi %while3A_5, %while3A_6 : i32
    %while3A_8 = arith.constant 1 : i32
    %while3A_9 = arith.divsi %while3A_6, %while3A_8 : i32
    %while3A_10 = arith.muli %while3A_9, %while3A_8 : i32
    %while3A_11 = arith.addi %while3A_5, %while3A_10 : i32
    %while3A_12 = arith.constant 1 : i32
    scf.for %while3A_19 = %while3A_5 to %while3A_11 step %while3A_12  : i32 {
      %dma_start3A = arith.constant 0 : i32
      %dma_start3A_20 = tpu.memref_slice %arg7[%while3A_19, %dma_start3A] : memref<90x128xi32, #tpu.memory_space<vmem>> -> memref<1x128xi32, #tpu.memory_space<vmem>>
      %dma_start3A_21 = tpu.memref_squeeze %dma_start3A_20 : memref<1x128xi32, #tpu.memory_space<vmem>> -> memref<128xi32, #tpu.memory_space<vmem>>
      %dma_start3A_22 = arith.constant 0 : i32
      %dma_start3A_23 = arith.constant 0 : i32
      %dma_start3A_24 = tpu.memref_slice %arg2[%dma_start3A_22, %dma_start3A_23] : memref<10000x128xf32, #tpu.memory_space<hbm>> -> memref<10000x128xf32, #tpu.memory_space<hbm>>
      tpu.enqueue_indirect_dma source(%dma_start3A_24 : memref<10000x128xf32, #tpu.memory_space<hbm>>) target(%arg9 : memref<128x128xf32, #tpu.memory_space<vmem>>) offsets(%dma_start3A_21 : memref<128xi32, #tpu.memory_space<vmem>>) semaphore(%arg11 : memref<!tpu.dma_semaphore, #tpu.memory_space<semaphore_mem>>)
      %dma_wait3A = arith.constant 0 : i32
      %dma_wait3A_25 = tpu.memref_slice %arg7[%while3A_19, %dma_wait3A] : memref<90x128xi32, #tpu.memory_space<vmem>> -> memref<1x128xi32, #tpu.memory_space<vmem>>
      %dma_wait3A_26 = tpu.memref_squeeze %dma_wait3A_25 : memref<1x128xi32, #tpu.memory_space<vmem>> -> memref<128xi32, #tpu.memory_space<vmem>>
      %dma_wait3A_27 = arith.constant 0 : i32
      %dma_wait3A_28 = arith.constant 0 : i32
      %dma_wait3A_29 = tpu.memref_slice %arg2[%dma_wait3A_27, %dma_wait3A_28] : memref<10000x128xf32, #tpu.memory_space<hbm>> -> memref<10000x128xf32, #tpu.memory_space<hbm>>
      tpu.wait_indirect_dma semaphore(%arg11 : memref<!tpu.dma_semaphore, #tpu.memory_space<semaphore_mem>>) src(%dma_wait3A_29 : memref<10000x128xf32, #tpu.memory_space<hbm>>) dst(%arg9 : memref<128x128xf32, #tpu.memory_space<vmem>>)
      "tpu.region"() ({
        %run_scoped3A = tpu.sem_alloc : memref<!tpu.dma_semaphore, #tpu.memory_space<semaphore_mem>>
        %dma_start3A_30 = arith.constant 0 : i32
        %dma_start3A_31 = tpu.memref_slice %arg8[%while3A_19, %dma_start3A_30] : memref<90x128xi32, #tpu.memory_space<vmem>> -> memref<1x128xi32, #tpu.memory_space<vmem>>
        %dma_start3A_32 = tpu.memref_squeeze %dma_start3A_31 : memref<1x128xi32, #tpu.memory_space<vmem>> -> memref<128xi32, #tpu.memory_space<vmem>>
        %dma_start3A_33 = arith.constant 0 : i32
        %dma_start3A_34 = arith.constant 0 : i32
        %dma_start3A_35 = tpu.memref_slice %arg10[%dma_start3A_33, %dma_start3A_34] : memref<10112x128xf32, #tpu.memory_space<vmem_shared>> -> memref<10112x128xf32, #tpu.memory_space<vmem_shared>>
        tpu.enqueue_indirect_dma source(%arg9 : memref<128x128xf32, #tpu.memory_space<vmem>>) target(%dma_start3A_35 : memref<10112x128xf32, #tpu.memory_space<vmem_shared>>) offsets(%dma_start3A_32 : memref<128xi32, #tpu.memory_space<vmem>>) semaphore(%run_scoped3A : memref<!tpu.dma_semaphore, #tpu.memory_space<semaphore_mem>>) {add = true}
        %dma_wait3A_36 = arith.constant 0 : i32
        %dma_wait3A_37 = tpu.memref_slice %arg8[%while3A_19, %dma_wait3A_36] : memref<90x128xi32, #tpu.memory_space<vmem>> -> memref<1x128xi32, #tpu.memory_space<vmem>>
        %dma_wait3A_38 = tpu.memref_squeeze %dma_wait3A_37 : memref<1x128xi32, #tpu.memory_space<vmem>> -> memref<128xi32, #tpu.memory_space<vmem>>
        %dma_wait3A_39 = arith.constant 0 : i32
        %dma_wait3A_40 = arith.constant 0 : i32
        %dma_wait3A_41 = tpu.memref_slice %arg10[%dma_wait3A_39, %dma_wait3A_40] : memref<10112x128xf32, #tpu.memory_space<vmem_shared>> -> memref<10112x128xf32, #tpu.memory_space<vmem_shared>>
        tpu.wait_indirect_dma semaphore(%run_scoped3A : memref<!tpu.dma_semaphore, #tpu.memory_space<semaphore_mem>>) src(%arg9 : memref<128x128xf32, #tpu.memory_space<vmem>>) dst(%dma_wait3A_41 : memref<10112x128xf32, #tpu.memory_space<vmem_shared>>)
        tpu.yield
      }) : () -> ()
    }
    %while3A_13 = arith.constant 1 : i32
    scf.for %while3A_19 = %while3A_11 to %while3A_7 step %while3A_13  : i32 {
      %dma_start3A = arith.constant 0 : i32
      %dma_start3A_20 = tpu.memref_slice %arg7[%while3A_19, %dma_start3A] : memref<90x128xi32, #tpu.memory_space<vmem>> -> memref<1x128xi32, #tpu.memory_space<vmem>>
      %dma_start3A_21 = tpu.memref_squeeze %dma_start3A_20 : memref<1x128xi32, #tpu.memory_space<vmem>> -> memref<128xi32, #tpu.memory_space<vmem>>
      %dma_start3A_22 = arith.constant 0 : i32
      %dma_start3A_23 = arith.constant 0 : i32
      %dma_start3A_24 = tpu.memref_slice %arg2[%dma_start3A_22, %dma_start3A_23] : memref<10000x128xf32, #tpu.memory_space<hbm>> -> memref<10000x128xf32, #tpu.memory_space<hbm>>
      tpu.enqueue_indirect_dma source(%dma_start3A_24 : memref<10000x128xf32, #tpu.memory_space<hbm>>) target(%arg9 : memref<128x128xf32, #tpu.memory_space<vmem>>) offsets(%dma_start3A_21 : memref<128xi32, #tpu.memory_space<vmem>>) semaphore(%arg11 : memref<!tpu.dma_semaphore, #tpu.memory_space<semaphore_mem>>)
      %dma_wait3A = arith.constant 0 : i32
      %dma_wait3A_25 = tpu.memref_slice %arg7[%while3A_19, %dma_wait3A] : memref<90x128xi32, #tpu.memory_space<vmem>> -> memref<1x128xi32, #tpu.memory_space<vmem>>
      %dma_wait3A_26 = tpu.memref_squeeze %dma_wait3A_25 : memref<1x128xi32, #tpu.memory_space<vmem>> -> memref<128xi32, #tpu.memory_space<vmem>>
      %dma_wait3A_27 = arith.constant 0 : i32
      %dma_wait3A_28 = arith.constant 0 : i32
      %dma_wait3A_29 = tpu.memref_slice %arg2[%dma_wait3A_27, %dma_wait3A_28] : memref<10000x128xf32, #tpu.memory_space<hbm>> -> memref<10000x128xf32, #tpu.memory_space<hbm>>
      tpu.wait_indirect_dma semaphore(%arg11 : memref<!tpu.dma_semaphore, #tpu.memory_space<semaphore_mem>>) src(%dma_wait3A_29 : memref<10000x128xf32, #tpu.memory_space<hbm>>) dst(%arg9 : memref<128x128xf32, #tpu.memory_space<vmem>>)
      "tpu.region"() ({
        %run_scoped3A = tpu.sem_alloc : memref<!tpu.dma_semaphore, #tpu.memory_space<semaphore_mem>>
        %dma_start3A_30 = arith.constant 0 : i32
        %dma_start3A_31 = tpu.memref_slice %arg8[%while3A_19, %dma_start3A_30] : memref<90x128xi32, #tpu.memory_space<vmem>> -> memref<1x128xi32, #tpu.memory_space<vmem>>
        %dma_start3A_32 = tpu.memref_squeeze %dma_start3A_31 : memref<1x128xi32, #tpu.memory_space<vmem>> -> memref<128xi32, #tpu.memory_space<vmem>>
        %dma_start3A_33 = arith.constant 0 : i32
        %dma_start3A_34 = arith.constant 0 : i32
        %dma_start3A_35 = tpu.memref_slice %arg10[%dma_start3A_33, %dma_start3A_34] : memref<10112x128xf32, #tpu.memory_space<vmem_shared>> -> memref<10112x128xf32, #tpu.memory_space<vmem_shared>>
        tpu.enqueue_indirect_dma source(%arg9 : memref<128x128xf32, #tpu.memory_space<vmem>>) target(%dma_start3A_35 : memref<10112x128xf32, #tpu.memory_space<vmem_shared>>) offsets(%dma_start3A_32 : memref<128xi32, #tpu.memory_space<vmem>>) semaphore(%run_scoped3A : memref<!tpu.dma_semaphore, #tpu.memory_space<semaphore_mem>>) {add = true}
        %dma_wait3A_36 = arith.constant 0 : i32
        %dma_wait3A_37 = tpu.memref_slice %arg8[%while3A_19, %dma_wait3A_36] : memref<90x128xi32, #tpu.memory_space<vmem>> -> memref<1x128xi32, #tpu.memory_space<vmem>>
        %dma_wait3A_38 = tpu.memref_squeeze %dma_wait3A_37 : memref<1x128xi32, #tpu.memory_space<vmem>> -> memref<128xi32, #tpu.memory_space<vmem>>
        %dma_wait3A_39 = arith.constant 0 : i32
        %dma_wait3A_40 = arith.constant 0 : i32
        %dma_wait3A_41 = tpu.memref_slice %arg10[%dma_wait3A_39, %dma_wait3A_40] : memref<10112x128xf32, #tpu.memory_space<vmem_shared>> -> memref<10112x128xf32, #tpu.memory_space<vmem_shared>>
        tpu.wait_indirect_dma semaphore(%run_scoped3A : memref<!tpu.dma_semaphore, #tpu.memory_space<semaphore_mem>>) src(%arg9 : memref<128x128xf32, #tpu.memory_space<vmem>>) dst(%dma_wait3A_41 : memref<10112x128xf32, #tpu.memory_space<vmem_shared>>)
        tpu.yield
      }) : () -> ()
    }
    %barrier3A_14 = arith.constant 0 : index
    tpu.barrier barrier_id(%barrier3A_14)
    %mul3A_15 = arith.constant 632 : i32
    %mul3A_16 = arith.muli %arg1, %mul3A_15 : i32
    %mul3A_17 = arith.constant 632 : i32
    %mul3A_18 = arith.muli %arg1, %mul3A_17 : i32
    "tpu.region"() ({
      %run_scoped3A = tpu.sem_alloc : memref<!tpu.dma_semaphore, #tpu.memory_space<semaphore_mem>>
      %dma_start3A = arith.constant 0 : i32
      %dma_start3A_19 = tpu.memref_slice %arg6[%arg0, %mul3A_18, %dma_start3A] : memref<2x10112x128xf32, #tpu.memory_space<hbm>> -> memref<1x632x128xf32, #tpu.memory_space<hbm>>
      %dma_start3A_20 = tpu.memref_squeeze %dma_start3A_19 : memref<1x632x128xf32, #tpu.memory_space<hbm>> -> memref<632x128xf32, #tpu.memory_space<hbm>>
      %dma_start3A_21 = arith.constant 0 : i32
      %dma_start3A_22 = tpu.memref_slice %arg10[%mul3A_16, %dma_start3A_21] : memref<10112x128xf32, #tpu.memory_space<vmem_shared>> -> memref<632x128xf32, #tpu.memory_space<vmem_shared>>
      tpu.enqueue_dma source(%dma_start3A_22 : memref<632x128xf32, #tpu.memory_space<vmem_shared>>) target(%dma_start3A_20 : memref<632x128xf32, #tpu.memory_space<hbm>>) target_semaphore(%run_scoped3A : memref<!tpu.dma_semaphore, #tpu.memory_space<semaphore_mem>>)
      %dma_wait3A = arith.constant 0 : i32
      %dma_wait3A_23 = tpu.memref_slice %arg6[%arg0, %mul3A_18, %dma_wait3A] : memref<2x10112x128xf32, #tpu.memory_space<hbm>> -> memref<1x632x128xf32, #tpu.memory_space<hbm>>
      %dma_wait3A_24 = tpu.memref_squeeze %dma_wait3A_23 : memref<1x632x128xf32, #tpu.memory_space<hbm>> -> memref<632x128xf32, #tpu.memory_space<hbm>>
      %dma_wait3A_25 = arith.constant 0 : i32
      %dma_wait3A_26 = tpu.memref_slice %arg10[%mul3A_16, %dma_wait3A_25] : memref<10112x128xf32, #tpu.memory_space<vmem_shared>> -> memref<632x128xf32, #tpu.memory_space<vmem_shared>>
      tpu.wait_dma2 semaphore(%run_scoped3A : memref<!tpu.dma_semaphore, #tpu.memory_space<semaphore_mem>>) src(%dma_wait3A_26 : memref<632x128xf32, #tpu.memory_space<vmem_shared>>) dst(%dma_wait3A_24 : memref<632x128xf32, #tpu.memory_space<hbm>>)
      tpu.yield
    }) : () -> ()
    return
  }
}

module attributes {stable_mosaic.version = 14 : i64} {
  func.func @_tc1_body(%arg0: i32, %arg1: memref<1000x128xf32, #tpu.memory_space<vmem>>, %arg2: memref<128x128xf32, #tpu.memory_space<vmem>>, %arg3: memref<1x128xf32, #tpu.memory_space<vmem>>, %arg4: memref<128x64xf32, #tpu.memory_space<vmem>>, %arg5: memref<128x64xf32, #tpu.memory_space<vmem>>, %arg6: memref<1x64xf32, #tpu.memory_space<vmem>>, %arg7: memref<1000x64xf32, #tpu.memory_space<vmem>>, %arg8: memref<1000x64xf32, #tpu.memory_space<vmem>>) attributes {dimension_semantics = [#tpu.dimension_semantics<arbitrary>], iteration_bounds = array<i64: 10>, scalar_prefetch = 0 : i64, scratch_operands = 0 : i64, tpu.core_type = #tpu.core_type<tc>, window_params = [{transform_indices = @transform_0, window_bounds = array<i64: 1000, 128>}, {pipeline_mode = #tpu.pipeline_mode<synchronous>, transform_indices = @transform_1, window_bounds = array<i64: 128, 128>}, {pipeline_mode = #tpu.pipeline_mode<synchronous>, transform_indices = @transform_2, window_bounds = array<i64: 1, 128>}, {pipeline_mode = #tpu.pipeline_mode<synchronous>, transform_indices = @transform_3, window_bounds = array<i64: 128, 64>}, {pipeline_mode = #tpu.pipeline_mode<synchronous>, transform_indices = @transform_4, window_bounds = array<i64: 128, 64>}, {pipeline_mode = #tpu.pipeline_mode<synchronous>, transform_indices = @transform_5, window_bounds = array<i64: 1, 64>}, {transform_indices = @transform_6, window_bounds = array<i64: 1000, 64>}, {transform_indices = @transform_7, window_bounds = array<i64: 1000, 64>}]} {
    %get3A = arith.constant 0 : index
    %get3A_0 = arith.constant 0 : index
    %get3A_1 = vector.load %arg1[%get3A, %get3A_0] : memref<1000x128xf32, #tpu.memory_space<vmem>>, vector<1000x128xf32>
    %get3A_2 = arith.constant 0 : index
    %get3A_3 = arith.constant 0 : index
    %get3A_4 = vector.load %arg2[%get3A_2, %get3A_3] : memref<128x128xf32, #tpu.memory_space<vmem>>, vector<128x128xf32>
    %dot_general3A = arith.constant dense<0.000000e+00> : vector<1000x128xf32>
    %dot_general3A_5 = tpu.matmul %get3A_1, %get3A_4, %dot_general3A {dimension_numbers = #tpu.dot_dimension_numbers<[1], [0], [0], [1], [0, 0, 1, 1], [], []>, transpose_lhs_hint = false} : vector<1000x128xf32>, vector<128x128xf32>, vector<1000x128xf32> -> vector<1000x128xf32>
    %get3A_6 = arith.constant 0 : index
    %get3A_7 = arith.constant 0 : index
    %get3A_8 = vector.load %arg3[%get3A_6, %get3A_7] : memref<1x128xf32, #tpu.memory_space<vmem>>, vector<1x128xf32>
    %add3A = vector.broadcast %get3A_8 : vector<1x128xf32> to vector<1000x128xf32>
    %add3A_9 = arith.addf %dot_general3A_5, %add3A : vector<1000x128xf32>
    %get3A_10 = arith.constant 0 : index
    %get3A_11 = arith.constant 0 : index
    %get3A_12 = vector.load %arg4[%get3A_10, %get3A_11] : memref<128x64xf32, #tpu.memory_space<vmem>>, vector<128x64xf32>
    %dot_general3A_13 = arith.constant dense<0.000000e+00> : vector<1000x64xf32>
    %dot_general3A_14 = tpu.matmul %add3A_9, %get3A_12, %dot_general3A_13 {dimension_numbers = #tpu.dot_dimension_numbers<[1], [0], [0], [1], [0, 0, 1, 1], [], []>, transpose_lhs_hint = false} : vector<1000x128xf32>, vector<128x64xf32>, vector<1000x64xf32> -> vector<1000x64xf32>
    %swap3A = arith.constant 0 : index
    %swap3A_15 = arith.constant 0 : index
    %swap3A_16 = vector.load %arg7[%swap3A, %swap3A_15] : memref<1000x64xf32, #tpu.memory_space<vmem>>, vector<1000x64xf32>
    tpu.vector_store %arg7[%swap3A, %swap3A_15], %dot_general3A_14 {strides = array<i32>} : memref<1000x64xf32, #tpu.memory_space<vmem>>, vector<1000x64xf32>,
    %get3A_17 = arith.constant 0 : index
    %get3A_18 = arith.constant 0 : index
    %get3A_19 = vector.load %arg5[%get3A_17, %get3A_18] : memref<128x64xf32, #tpu.memory_space<vmem>>, vector<128x64xf32>
    %dot_general3A_20 = arith.constant dense<0.000000e+00> : vector<1000x64xf32>
    %dot_general3A_21 = tpu.matmul %add3A_9, %get3A_19, %dot_general3A_20 {dimension_numbers = #tpu.dot_dimension_numbers<[1], [0], [0], [1], [0, 0, 1, 1], [], []>, transpose_lhs_hint = false} : vector<1000x128xf32>, vector<128x64xf32>, vector<1000x64xf32> -> vector<1000x64xf32>
    %get3A_22 = arith.constant 0 : index
    %get3A_23 = arith.constant 0 : index
    %get3A_24 = vector.load %arg6[%get3A_22, %get3A_23] : memref<1x64xf32, #tpu.memory_space<vmem>>, vector<1x64xf32>
    %add3A_25 = vector.broadcast %get3A_24 : vector<1x64xf32> to vector<1000x64xf32>
    %add3A_26 = arith.addf %dot_general3A_21, %add3A_25 : vector<1000x64xf32>
    %swap3A_27 = arith.constant 0 : index
    %swap3A_28 = arith.constant 0 : index
    %swap3A_29 = vector.load %arg8[%swap3A_27, %swap3A_28] : memref<1000x64xf32, #tpu.memory_space<vmem>>, vector<1000x64xf32>
    tpu.vector_store %arg8[%swap3A_27, %swap3A_28], %add3A_26 {strides = array<i32>} : memref<1000x64xf32, #tpu.memory_space<vmem>>, vector<1000x64xf32>,
    return
  }
  func.func @transform_0(%arg0: i32) -> (i32, i32) {
    %c0_i32 = arith.constant 0 : i32
    %c0_i32_0 = arith.constant 0 : i32
    return %arg0, %c0_i32 : i32, i32
  }
  func.func @transform_1(%arg0: i32) -> (i32, i32) {
    %c0_i32 = arith.constant 0 : i32
    %c0_i32_0 = arith.constant 0 : i32
    %c0_i32_1 = arith.constant 0 : i32
    return %c0_i32, %c0_i32_0 : i32, i32
  }
  func.func @transform_2(%arg0: i32) -> (i32, i32) {
    %c0_i32 = arith.constant 0 : i32
    %c0_i32_0 = arith.constant 0 : i32
    %c0_i32_1 = arith.constant 0 : i32
    return %c0_i32, %c0_i32_0 : i32, i32
  }
  func.func @transform_3(%arg0: i32) -> (i32, i32) {
    %c0_i32 = arith.constant 0 : i32
    %c0_i32_0 = arith.constant 0 : i32
    %c0_i32_1 = arith.constant 0 : i32
    return %c0_i32, %c0_i32_0 : i32, i32
  }
  func.func @transform_4(%arg0: i32) -> (i32, i32) {
    %c0_i32 = arith.constant 0 : i32
    %c0_i32_0 = arith.constant 0 : i32
    %c0_i32_1 = arith.constant 0 : i32
    return %c0_i32, %c0_i32_0 : i32, i32
  }
  func.func @transform_5(%arg0: i32) -> (i32, i32) {
    %c0_i32 = arith.constant 0 : i32
    %c0_i32_0 = arith.constant 0 : i32
    %c0_i32_1 = arith.constant 0 : i32
    return %c0_i32, %c0_i32_0 : i32, i32
  }
  func.func @transform_6(%arg0: i32) -> (i32, i32) {
    %c0_i32 = arith.constant 0 : i32
    %c0_i32_0 = arith.constant 0 : i32
    return %arg0, %c0_i32 : i32, i32
  }
  func.func @transform_7(%arg0: i32) -> (i32, i32) {
    %c0_i32 = arith.constant 0 : i32
    %c0_i32_0 = arith.constant 0 : i32
    return %arg0, %c0_i32 : i32, i32
  }
}

module attributes {stable_mosaic.version = 14 : i64} {
  func.func @_tc2_body(%arg0: i32, %arg1: memref<2x1000x64xf32, #tpu.memory_space<vmem>>, %arg2: memref<1000x64xf32, #tpu.memory_space<vmem>>, %arg3: memref<64x128xf32, #tpu.memory_space<vmem>>, %arg4: memref<1x128xf32, #tpu.memory_space<vmem>>, %arg5: memref<1000x64xf32, #tpu.memory_space<vmem>>, %arg6: memref<1000x128xf32, #tpu.memory_space<vmem>>) attributes {dimension_semantics = [#tpu.dimension_semantics<arbitrary>], iteration_bounds = array<i64: 10>, scalar_prefetch = 0 : i64, scratch_operands = 0 : i64, tpu.core_type = #tpu.core_type<tc>, window_params = [{transform_indices = @transform_0, window_bounds = array<i64: 2, 1000, 64>}, {transform_indices = @transform_1, window_bounds = array<i64: 1000, 64>}, {pipeline_mode = #tpu.pipeline_mode<synchronous>, transform_indices = @transform_2, window_bounds = array<i64: 64, 128>}, {pipeline_mode = #tpu.pipeline_mode<synchronous>, transform_indices = @transform_3, window_bounds = array<i64: 1, 128>}, {transform_indices = @transform_4, window_bounds = array<i64: 1000, 64>}, {transform_indices = @transform_5, window_bounds = array<i64: 1000, 128>}]} {
    %get3A = arith.constant 0 : index
    %get3A_0 = arith.constant 0 : index
    %get3A_1 = arith.constant 0 : index
    %get3A_2 = vector.load %arg1[%get3A, %get3A_0, %get3A_1] : memref<2x1000x64xf32, #tpu.memory_space<vmem>>, vector<1x1000x64xf32>
    %get3A_3 = vector.shape_cast %get3A_2 : vector<1x1000x64xf32> to vector<1000x64xf32>
    %get3A_4 = arith.constant 1 : index
    %get3A_5 = arith.constant 0 : index
    %get3A_6 = arith.constant 0 : index
    %get3A_7 = vector.load %arg1[%get3A_4, %get3A_5, %get3A_6] : memref<2x1000x64xf32, #tpu.memory_space<vmem>>, vector<1x1000x64xf32>
    %get3A_8 = vector.shape_cast %get3A_7 : vector<1x1000x64xf32> to vector<1000x64xf32>
    %add3A = arith.addf %get3A_3, %get3A_8 : vector<1000x64xf32>
    %get3A_9 = arith.constant 0 : index
    %get3A_10 = arith.constant 0 : index
    %get3A_11 = vector.load %arg2[%get3A_9, %get3A_10] : memref<1000x64xf32, #tpu.memory_space<vmem>>, vector<1000x64xf32>
    %add3A_12 = arith.addf %add3A, %get3A_11 : vector<1000x64xf32>
    %max3A = arith.constant 0.000000e+00 : f32
    %max3A_13 = vector.broadcast %max3A : f32 to vector<1000x64xf32>
    %max3A_14 = arith.maximumf %add3A_12, %max3A_13 : vector<1000x64xf32>
    %swap3A = arith.constant 0 : index
    %swap3A_15 = arith.constant 0 : index
    %swap3A_16 = vector.load %arg5[%swap3A, %swap3A_15] : memref<1000x64xf32, #tpu.memory_space<vmem>>, vector<1000x64xf32>
    tpu.vector_store %arg5[%swap3A, %swap3A_15], %max3A_14 {strides = array<i32>} : memref<1000x64xf32, #tpu.memory_space<vmem>>, vector<1000x64xf32>,
    %get3A_17 = arith.constant 0 : index
    %get3A_18 = arith.constant 0 : index
    %get3A_19 = vector.load %arg3[%get3A_17, %get3A_18] : memref<64x128xf32, #tpu.memory_space<vmem>>, vector<64x128xf32>
    %dot_general3A = arith.constant dense<0.000000e+00> : vector<1000x128xf32>
    %dot_general3A_20 = tpu.matmul %max3A_14, %get3A_19, %dot_general3A {dimension_numbers = #tpu.dot_dimension_numbers<[1], [0], [0], [1], [0, 0, 1, 1], [], []>, transpose_lhs_hint = false} : vector<1000x64xf32>, vector<64x128xf32>, vector<1000x128xf32> -> vector<1000x128xf32>
    %get3A_21 = arith.constant 0 : index
    %get3A_22 = arith.constant 0 : index
    %get3A_23 = vector.load %arg4[%get3A_21, %get3A_22] : memref<1x128xf32, #tpu.memory_space<vmem>>, vector<1x128xf32>
    %add3A_24 = vector.broadcast %get3A_23 : vector<1x128xf32> to vector<1000x128xf32>
    %add3A_25 = arith.addf %dot_general3A_20, %add3A_24 : vector<1000x128xf32>
    %swap3A_26 = arith.constant 0 : index
    %swap3A_27 = arith.constant 0 : index
    %swap3A_28 = vector.load %arg6[%swap3A_26, %swap3A_27] : memref<1000x128xf32, #tpu.memory_space<vmem>>, vector<1000x128xf32>
    tpu.vector_store %arg6[%swap3A_26, %swap3A_27], %add3A_25 {strides = array<i32>} : memref<1000x128xf32, #tpu.memory_space<vmem>>, vector<1000x128xf32>,
    return
  }
  func.func @transform_0(%arg0: i32) -> (i32, i32, i32) {
    %c0_i32 = arith.constant 0 : i32
    %c0_i32_0 = arith.constant 0 : i32
    %c0_i32_1 = arith.constant 0 : i32
    return %c0_i32, %arg0, %c0_i32_0 : i32, i32, i32
  }
  func.func @transform_1(%arg0: i32) -> (i32, i32) {
    %c0_i32 = arith.constant 0 : i32
    %c0_i32_0 = arith.constant 0 : i32
    return %arg0, %c0_i32 : i32, i32
  }
  func.func @transform_2(%arg0: i32) -> (i32, i32) {
    %c0_i32 = arith.constant 0 : i32
    %c0_i32_0 = arith.constant 0 : i32
    %c0_i32_1 = arith.constant 0 : i32
    return %c0_i32, %c0_i32_0 : i32, i32
  }
  func.func @transform_3(%arg0: i32) -> (i32, i32) {
    %c0_i32 = arith.constant 0 : i32
    %c0_i32_0 = arith.constant 0 : i32
    %c0_i32_1 = arith.constant 0 : i32
    return %c0_i32, %c0_i32_0 : i32, i32
  }
  func.func @transform_4(%arg0: i32) -> (i32, i32) {
    %c0_i32 = arith.constant 0 : i32
    %c0_i32_0 = arith.constant 0 : i32
    return %arg0, %c0_i32 : i32, i32
  }
  func.func @transform_5(%arg0: i32) -> (i32, i32) {
    %c0_i32 = arith.constant 0 : i32
    %c0_i32_0 = arith.constant 0 : i32
    return %arg0, %c0_i32 : i32, i32
  }
}

module attributes {stable_mosaic.version = 14 : i64} {
  func.func @_tc3_body(%arg0: i32, %arg1: memref<2x1000x64xf32, #tpu.memory_space<vmem>>, %arg2: memref<64x128xf32, #tpu.memory_space<vmem>>, %arg3: memref<1000x128xf32, #tpu.memory_space<vmem>>, %arg4: memref<128x128xf32, #tpu.memory_space<vmem>>, %arg5: memref<1x128xf32, #tpu.memory_space<vmem>>, %arg6: memref<1000x128xf32, #tpu.memory_space<vmem>>, %arg7: memref<1000x128xf32, #tpu.memory_space<vmem>>) attributes {dimension_semantics = [#tpu.dimension_semantics<arbitrary>], iteration_bounds = array<i64: 10>, scalar_prefetch = 0 : i64, scratch_operands = 0 : i64, tpu.core_type = #tpu.core_type<tc>, window_params = [{transform_indices = @transform_0, window_bounds = array<i64: 2, 1000, 64>}, {pipeline_mode = #tpu.pipeline_mode<synchronous>, transform_indices = @transform_1, window_bounds = array<i64: 64, 128>}, {transform_indices = @transform_2, window_bounds = array<i64: 1000, 128>}, {pipeline_mode = #tpu.pipeline_mode<synchronous>, transform_indices = @transform_3, window_bounds = array<i64: 128, 128>}, {pipeline_mode = #tpu.pipeline_mode<synchronous>, transform_indices = @transform_4, window_bounds = array<i64: 1, 128>}, {transform_indices = @transform_5, window_bounds = array<i64: 1000, 128>}, {transform_indices = @transform_6, window_bounds = array<i64: 1000, 128>}]} {
    %get3A = arith.constant 0 : index
    %get3A_0 = arith.constant 0 : index
    %get3A_1 = arith.constant 0 : index
    %get3A_2 = vector.load %arg1[%get3A, %get3A_0, %get3A_1] : memref<2x1000x64xf32, #tpu.memory_space<vmem>>, vector<1x1000x64xf32>
    %get3A_3 = vector.shape_cast %get3A_2 : vector<1x1000x64xf32> to vector<1000x64xf32>
    %get3A_4 = arith.constant 1 : index
    %get3A_5 = arith.constant 0 : index
    %get3A_6 = arith.constant 0 : index
    %get3A_7 = vector.load %arg1[%get3A_4, %get3A_5, %get3A_6] : memref<2x1000x64xf32, #tpu.memory_space<vmem>>, vector<1x1000x64xf32>
    %get3A_8 = vector.shape_cast %get3A_7 : vector<1x1000x64xf32> to vector<1000x64xf32>
    %add3A = arith.addf %get3A_3, %get3A_8 : vector<1000x64xf32>
    %get3A_9 = arith.constant 0 : index
    %get3A_10 = arith.constant 0 : index
    %get3A_11 = vector.load %arg2[%get3A_9, %get3A_10] : memref<64x128xf32, #tpu.memory_space<vmem>>, vector<64x128xf32>
    %dot_general3A = arith.constant dense<0.000000e+00> : vector<1000x128xf32>
    %dot_general3A_12 = tpu.matmul %add3A, %get3A_11, %dot_general3A {dimension_numbers = #tpu.dot_dimension_numbers<[1], [0], [0], [1], [0, 0, 1, 1], [], []>, transpose_lhs_hint = false} : vector<1000x64xf32>, vector<64x128xf32>, vector<1000x128xf32> -> vector<1000x128xf32>
    %get3A_13 = arith.constant 0 : index
    %get3A_14 = arith.constant 0 : index
    %get3A_15 = vector.load %arg3[%get3A_13, %get3A_14] : memref<1000x128xf32, #tpu.memory_space<vmem>>, vector<1000x128xf32>
    %add3A_16 = arith.addf %dot_general3A_12, %get3A_15 : vector<1000x128xf32>
    %max3A = arith.constant 0.000000e+00 : f32
    %max3A_17 = vector.broadcast %max3A : f32 to vector<1000x128xf32>
    %max3A_18 = arith.maximumf %add3A_16, %max3A_17 : vector<1000x128xf32>
    %swap3A = arith.constant 0 : index
    %swap3A_19 = arith.constant 0 : index
    %swap3A_20 = vector.load %arg6[%swap3A, %swap3A_19] : memref<1000x128xf32, #tpu.memory_space<vmem>>, vector<1000x128xf32>
    tpu.vector_store %arg6[%swap3A, %swap3A_19], %max3A_18 {strides = array<i32>} : memref<1000x128xf32, #tpu.memory_space<vmem>>, vector<1000x128xf32>,
    %get3A_21 = arith.constant 0 : index
    %get3A_22 = arith.constant 0 : index
    %get3A_23 = vector.load %arg4[%get3A_21, %get3A_22] : memref<128x128xf32, #tpu.memory_space<vmem>>, vector<128x128xf32>
    %dot_general3A_24 = arith.constant dense<0.000000e+00> : vector<1000x128xf32>
    %dot_general3A_25 = tpu.matmul %max3A_18, %get3A_23, %dot_general3A_24 {dimension_numbers = #tpu.dot_dimension_numbers<[1], [0], [0], [1], [0, 0, 1, 1], [], []>, transpose_lhs_hint = false} : vector<1000x128xf32>, vector<128x128xf32>, vector<1000x128xf32> -> vector<1000x128xf32>
    %get3A_26 = arith.constant 0 : index
    %get3A_27 = arith.constant 0 : index
    %get3A_28 = vector.load %arg5[%get3A_26, %get3A_27] : memref<1x128xf32, #tpu.memory_space<vmem>>, vector<1x128xf32>
    %add3A_29 = vector.broadcast %get3A_28 : vector<1x128xf32> to vector<1000x128xf32>
    %add3A_30 = arith.addf %dot_general3A_25, %add3A_29 : vector<1000x128xf32>
    %swap3A_31 = arith.constant 0 : index
    %swap3A_32 = arith.constant 0 : index
    %swap3A_33 = vector.load %arg7[%swap3A_31, %swap3A_32] : memref<1000x128xf32, #tpu.memory_space<vmem>>, vector<1000x128xf32>
    tpu.vector_store %arg7[%swap3A_31, %swap3A_32], %add3A_30 {strides = array<i32>} : memref<1000x128xf32, #tpu.memory_space<vmem>>, vector<1000x128xf32>,
    return
  }
  func.func @transform_0(%arg0: i32) -> (i32, i32, i32) {
    %c0_i32 = arith.constant 0 : i32
    %c0_i32_0 = arith.constant 0 : i32
    %c0_i32_1 = arith.constant 0 : i32
    return %c0_i32, %arg0, %c0_i32_0 : i32, i32, i32
  }
  func.func @transform_1(%arg0: i32) -> (i32, i32) {
    %c0_i32 = arith.constant 0 : i32
    %c0_i32_0 = arith.constant 0 : i32
    %c0_i32_1 = arith.constant 0 : i32
    return %c0_i32, %c0_i32_0 : i32, i32
  }
  func.func @transform_2(%arg0: i32) -> (i32, i32) {
    %c0_i32 = arith.constant 0 : i32
    %c0_i32_0 = arith.constant 0 : i32
    return %arg0, %c0_i32 : i32, i32
  }
  func.func @transform_3(%arg0: i32) -> (i32, i32) {
    %c0_i32 = arith.constant 0 : i32
    %c0_i32_0 = arith.constant 0 : i32
    %c0_i32_1 = arith.constant 0 : i32
    return %c0_i32, %c0_i32_0 : i32, i32
  }
  func.func @transform_4(%arg0: i32) -> (i32, i32) {
    %c0_i32 = arith.constant 0 : i32
    %c0_i32_0 = arith.constant 0 : i32
    %c0_i32_1 = arith.constant 0 : i32
    return %c0_i32, %c0_i32_0 : i32, i32
  }
  func.func @transform_5(%arg0: i32) -> (i32, i32) {
    %c0_i32 = arith.constant 0 : i32
    %c0_i32_0 = arith.constant 0 : i32
    return %arg0, %c0_i32 : i32, i32
  }
  func.func @transform_6(%arg0: i32) -> (i32, i32) {
    %c0_i32 = arith.constant 0 : i32
    %c0_i32_0 = arith.constant 0 : i32
    return %arg0, %c0_i32 : i32, i32
  }
}

module attributes {stable_mosaic.version = 14 : i64} {
  func.func @_tc4_body(%arg0: i32, %arg1: memref<2x1000x128xf32, #tpu.memory_space<vmem>>, %arg2: memref<128x128xf32, #tpu.memory_space<vmem>>, %arg3: memref<1000x128xf32, #tpu.memory_space<vmem>>, %arg4: memref<1x1x1000xi32, #tpu.memory_space<vmem>>, %arg5: memref<128x10xf32, #tpu.memory_space<vmem>>, %arg6: memref<1x10xf32, #tpu.memory_space<vmem>>, %arg7: memref<128x10xf32, #tpu.memory_space<vmem>>, %arg8: memref<128x128xf32, #tpu.memory_space<vmem>>, %arg9: memref<128x128xf32, #tpu.memory_space<vmem>>) attributes {dimension_semantics = [#tpu.dimension_semantics<arbitrary>], iteration_bounds = array<i64: 10>, scalar_prefetch = 0 : i64, scratch_operands = 2 : i64, tpu.core_type = #tpu.core_type<tc>, window_params = [{transform_indices = @transform_0, window_bounds = array<i64: 2, 1000, 128>}, {pipeline_mode = #tpu.pipeline_mode<synchronous>, transform_indices = @transform_1, window_bounds = array<i64: 128, 128>}, {transform_indices = @transform_2, window_bounds = array<i64: 1000, 128>}, {transform_indices = @transform_3, window_bounds = array<i64: 1, 1, 1000>}, {pipeline_mode = #tpu.pipeline_mode<synchronous>, transform_indices = @transform_4, window_bounds = array<i64: 128, 10>}, {pipeline_mode = #tpu.pipeline_mode<synchronous>, transform_indices = @transform_5, window_bounds = array<i64: 1, 10>}, {pipeline_mode = #tpu.pipeline_mode<synchronous>, transform_indices = @transform_6, window_bounds = array<i64: 128, 10>}]} {
    %eq3A = arith.constant 0 : i32
    %eq3A_0 = arith.cmpi eq, %arg0, %eq3A : i32
    %convert_element_type3A = arith.extui %eq3A_0 : i1 to i32
    %cond3A = arith.constant 0 : i32
    %cond3A_1 = arith.cmpi ne, %convert_element_type3A, %cond3A : i32
    scf.if %cond3A_1 {
      %broadcast_in_dim3A_54 = arith.constant 0.000000e+00 : f32
      %broadcast_in_dim3A_55 = vector.broadcast %broadcast_in_dim3A_54 : f32 to vector<128x128xf32>
      %swap3A_56 = arith.constant 0 : index
      %swap3A_57 = arith.constant 0 : index
      %swap3A_58 = vector.load %arg8[%swap3A_56, %swap3A_57] : memref<128x128xf32, #tpu.memory_space<vmem>>, vector<128x128xf32>
      tpu.vector_store %arg8[%swap3A_56, %swap3A_57], %broadcast_in_dim3A_55 {strides = array<i32>} : memref<128x128xf32, #tpu.memory_space<vmem>>, vector<128x128xf32>,
      %broadcast_in_dim3A_59 = arith.constant 0.000000e+00 : f32
      %broadcast_in_dim3A_60 = vector.broadcast %broadcast_in_dim3A_59 : f32 to vector<128x128xf32>
      %swap3A_61 = arith.constant 0 : index
      %swap3A_62 = arith.constant 0 : index
      %swap3A_63 = vector.load %arg9[%swap3A_61, %swap3A_62] : memref<128x128xf32, #tpu.memory_space<vmem>>, vector<128x128xf32>
      tpu.vector_store %arg9[%swap3A_61, %swap3A_62], %broadcast_in_dim3A_60 {strides = array<i32>} : memref<128x128xf32, #tpu.memory_space<vmem>>, vector<128x128xf32>,
    } else {
    }
    %get3A = arith.constant 0 : index
    %get3A_2 = arith.constant 0 : index
    %get3A_3 = arith.constant 0 : index
    %get3A_4 = vector.load %arg1[%get3A, %get3A_2, %get3A_3] : memref<2x1000x128xf32, #tpu.memory_space<vmem>>, vector<1x1000x128xf32>
    %get3A_5 = vector.shape_cast %get3A_4 : vector<1x1000x128xf32> to vector<1000x128xf32>
    %get3A_6 = arith.constant 1 : index
    %get3A_7 = arith.constant 0 : index
    %get3A_8 = arith.constant 0 : index
    %get3A_9 = vector.load %arg1[%get3A_6, %get3A_7, %get3A_8] : memref<2x1000x128xf32, #tpu.memory_space<vmem>>, vector<1x1000x128xf32>
    %get3A_10 = vector.shape_cast %get3A_9 : vector<1x1000x128xf32> to vector<1000x128xf32>
    %add3A = arith.addf %get3A_5, %get3A_10 : vector<1000x128xf32>
    %get3A_11 = arith.constant 0 : index
    %get3A_12 = arith.constant 0 : index
    %get3A_13 = vector.load %arg2[%get3A_11, %get3A_12] : memref<128x128xf32, #tpu.memory_space<vmem>>, vector<128x128xf32>
    %dot_general3A = arith.constant dense<0.000000e+00> : vector<1000x128xf32>
    %dot_general3A_14 = tpu.matmul %add3A, %get3A_13, %dot_general3A {dimension_numbers = #tpu.dot_dimension_numbers<[1], [0], [0], [1], [0, 0, 1, 1], [], []>, transpose_lhs_hint = false} : vector<1000x128xf32>, vector<128x128xf32>, vector<1000x128xf32> -> vector<1000x128xf32>
    %get3A_15 = arith.constant 0 : index
    %get3A_16 = arith.constant 0 : index
    %get3A_17 = vector.load %arg3[%get3A_15, %get3A_16] : memref<1000x128xf32, #tpu.memory_space<vmem>>, vector<1000x128xf32>
    %add3A_18 = arith.addf %dot_general3A_14, %get3A_17 : vector<1000x128xf32>
    %max3A = arith.constant 0.000000e+00 : f32
    %max3A_19 = vector.broadcast %max3A : f32 to vector<1000x128xf32>
    %max3A_20 = arith.maximumf %add3A_18, %max3A_19 : vector<1000x128xf32>
    %get3A_21 = arith.constant 0 : index
    %get3A_22 = arith.constant 0 : index
    %get3A_23 = arith.constant 0 : index
    %get3A_24 = vector.load %arg4[%get3A_21, %get3A_22, %get3A_23] : memref<1x1x1000xi32, #tpu.memory_space<vmem>>, vector<1x1x1000xi32>
    %get3A_25 = vector.shape_cast %get3A_24 : vector<1x1x1000xi32> to vector<1000xi32>
    %iota3A = tpu.iota {dimensions = array<i32: 1>} : vector<1000x128xi32>
    %broadcast_in_dim3A = vector.shape_cast %get3A_25 : vector<1000xi32> to vector<1000x1xi32>
    %eq3A_26 = vector.broadcast %broadcast_in_dim3A : vector<1000x1xi32> to vector<1000x128xi32>
    %eq3A_27 = arith.cmpi eq, %eq3A_26, %iota3A : vector<1000x128xi32>
    %convert_element_type3A_28 = arith.extui %eq3A_27 : vector<1000x128xi1> to vector<1000x128xi32>
    %convert_element_type3A_29 = arith.sitofp %convert_element_type3A_28 : vector<1000x128xi32> to vector<1000x128xf32>
    %get3A_30 = arith.constant 0 : index
    %get3A_31 = arith.constant 0 : index
    %get3A_32 = vector.load %arg8[%get3A_30, %get3A_31] : memref<128x128xf32, #tpu.memory_space<vmem>>, vector<128x128xf32>
    %dot_general3A_33 = arith.constant dense<0.000000e+00> : vector<128x128xf32>
    %dot_general3A_34 = tpu.matmul %convert_element_type3A_29, %max3A_20, %dot_general3A_33 {dimension_numbers = #tpu.dot_dimension_numbers<[0], [0], [1], [1], [0, 1, 1, 1], [], []>, transpose_lhs_hint = false} : vector<1000x128xf32>, vector<1000x128xf32>, vector<128x128xf32> -> vector<128x128xf32>
    %add3A_35 = arith.addf %get3A_32, %dot_general3A_34 : vector<128x128xf32>
    %swap3A = arith.constant 0 : index
    %swap3A_36 = arith.constant 0 : index
    %swap3A_37 = vector.load %arg8[%swap3A, %swap3A_36] : memref<128x128xf32, #tpu.memory_space<vmem>>, vector<128x128xf32>
    tpu.vector_store %arg8[%swap3A, %swap3A_36], %add3A_35 {strides = array<i32>} : memref<128x128xf32, #tpu.memory_space<vmem>>, vector<128x128xf32>,
    %get3A_38 = arith.constant 0 : index
    %get3A_39 = arith.constant 0 : index
    %get3A_40 = vector.load %arg9[%get3A_38, %get3A_39] : memref<128x128xf32, #tpu.memory_space<vmem>>, vector<128x128xf32>
    %broadcast_in_dim3A_41 = arith.constant 1.000000e+00 : f32
    %broadcast_in_dim3A_42 = vector.broadcast %broadcast_in_dim3A_41 : f32 to vector<1000x128xf32>
    %dot_general3A_43 = arith.constant dense<0.000000e+00> : vector<128x128xf32>
    %dot_general3A_44 = tpu.matmul %convert_element_type3A_29, %broadcast_in_dim3A_42, %dot_general3A_43 {dimension_numbers = #tpu.dot_dimension_numbers<[0], [0], [1], [1], [0, 1, 1, 1], [], []>, transpose_lhs_hint = false} : vector<1000x128xf32>, vector<1000x128xf32>, vector<128x128xf32> -> vector<128x128xf32>
    %add3A_45 = arith.addf %get3A_40, %dot_general3A_44 : vector<128x128xf32>
    %swap3A_46 = arith.constant 0 : index
    %swap3A_47 = arith.constant 0 : index
    %swap3A_48 = vector.load %arg9[%swap3A_46, %swap3A_47] : memref<128x128xf32, #tpu.memory_space<vmem>>, vector<128x128xf32>
    tpu.vector_store %arg9[%swap3A_46, %swap3A_47], %add3A_45 {strides = array<i32>} : memref<128x128xf32, #tpu.memory_space<vmem>>, vector<128x128xf32>,
    %eq3A_49 = arith.constant 9 : i32
    %eq3A_50 = arith.cmpi eq, %arg0, %eq3A_49 : i32
    %convert_element_type3A_51 = arith.extui %eq3A_50 : i1 to i32
    %cond3A_52 = arith.constant 0 : i32
    %cond3A_53 = arith.cmpi ne, %convert_element_type3A_51, %cond3A_52 : i32
    scf.if %cond3A_53 {
      %get3A_54 = arith.constant 0 : index
      %get3A_55 = arith.constant 0 : index
      %get3A_56 = vector.load %arg8[%get3A_54, %get3A_55] : memref<128x128xf32, #tpu.memory_space<vmem>>, vector<128x128xf32>
      %get3A_57 = arith.constant 0 : index
      %get3A_58 = arith.constant 0 : index
      %get3A_59 = vector.load %arg9[%get3A_57, %get3A_58] : memref<128x128xf32, #tpu.memory_space<vmem>>, vector<128x128xf32>
      %max3A_60 = arith.constant 1.000000e+00 : f32
      %max3A_61 = vector.broadcast %max3A_60 : f32 to vector<128x128xf32>
      %max3A_62 = arith.maximumf %get3A_59, %max3A_61 : vector<128x128xf32>
      %div3A = arith.divf %get3A_56, %max3A_62 : vector<128x128xf32>
      %get3A_63 = arith.constant 0 : index
      %get3A_64 = arith.constant 0 : index
      %get3A_65 = vector.load %arg5[%get3A_63, %get3A_64] : memref<128x10xf32, #tpu.memory_space<vmem>>, vector<128x10xf32>
      %dot_general3A_66 = arith.constant dense<0.000000e+00> : vector<128x10xf32>
      %dot_general3A_67 = tpu.matmul %div3A, %get3A_65, %dot_general3A_66 {dimension_numbers = #tpu.dot_dimension_numbers<[1], [0], [0], [1], [0, 0, 1, 1], [], []>, transpose_lhs_hint = false} : vector<128x128xf32>, vector<128x10xf32>, vector<128x10xf32> -> vector<128x10xf32>
      %get3A_68 = arith.constant 0 : index
      %get3A_69 = arith.constant 0 : index
      %get3A_70 = vector.load %arg6[%get3A_68, %get3A_69] : memref<1x10xf32, #tpu.memory_space<vmem>>, vector<1x10xf32>
      %add3A_71 = vector.broadcast %get3A_70 : vector<1x10xf32> to vector<128x10xf32>
      %add3A_72 = arith.addf %dot_general3A_67, %add3A_71 : vector<128x10xf32>
      %swap3A_73 = arith.constant 0 : index
      %swap3A_74 = arith.constant 0 : index
      %swap3A_75 = vector.load %arg7[%swap3A_73, %swap3A_74] : memref<128x10xf32, #tpu.memory_space<vmem>>, vector<128x10xf32>
      tpu.vector_store %arg7[%swap3A_73, %swap3A_74], %add3A_72 {strides = array<i32>} : memref<128x10xf32, #tpu.memory_space<vmem>>, vector<128x10xf32>,
    } else {
    }
    return
  }
  func.func @transform_0(%arg0: i32) -> (i32, i32, i32) {
    %c0_i32 = arith.constant 0 : i32
    %c0_i32_0 = arith.constant 0 : i32
    %c0_i32_1 = arith.constant 0 : i32
    return %c0_i32, %arg0, %c0_i32_0 : i32, i32, i32
  }
  func.func @transform_1(%arg0: i32) -> (i32, i32) {
    %c0_i32 = arith.constant 0 : i32
    %c0_i32_0 = arith.constant 0 : i32
    %c0_i32_1 = arith.constant 0 : i32
    return %c0_i32, %c0_i32_0 : i32, i32
  }
  func.func @transform_2(%arg0: i32) -> (i32, i32) {
    %c0_i32 = arith.constant 0 : i32
    %c0_i32_0 = arith.constant 0 : i32
    return %arg0, %c0_i32 : i32, i32
  }
  func.func @transform_3(%arg0: i32) -> (i32, i32, i32) {
    %c0_i32 = arith.constant 0 : i32
    %c0_i32_0 = arith.constant 0 : i32
    %c0_i32_1 = arith.constant 0 : i32
    return %arg0, %c0_i32, %c0_i32_0 : i32, i32, i32
  }
  func.func @transform_4(%arg0: i32) -> (i32, i32) {
    %c0_i32 = arith.constant 0 : i32
    %c0_i32_0 = arith.constant 0 : i32
    %c0_i32_1 = arith.constant 0 : i32
    return %c0_i32, %c0_i32_0 : i32, i32
  }
  func.func @transform_5(%arg0: i32) -> (i32, i32) {
    %c0_i32 = arith.constant 0 : i32
    %c0_i32_0 = arith.constant 0 : i32
    %c0_i32_1 = arith.constant 0 : i32
    return %c0_i32, %c0_i32_0 : i32, i32
  }
  func.func @transform_6(%arg0: i32) -> (i32, i32) {
    %c0_i32 = arith.constant 0 : i32
    %c0_i32_0 = arith.constant 0 : i32
    %c0_i32_1 = arith.constant 0 : i32
    return %c0_i32, %c0_i32_0 : i32, i32
  }
}

</mosaic_0001>

<sc_bundles>
// kernel: gather_offload_async_start.1
scs
__scs_entry_jumppad:
0x0: {  	(pc) =	sbr.rel $0x88, $3  }
0x1: {  	(tag) =	ssettag $0x0;
	lr =	simm.s32 $0x1  }
0x2: {  	[smem:$0x3F91] =	sst lr;
	_ =	strace $0xD0000000  }
0x3: {  	_ = 	snop  }
0x4: {  	_ = 	snop  }
0x5: {  	_ = 	snop  }
0x6: {  	_ = 	snop  }
0x7: {  	_ = 	snop  }
__scs_overlays_trampoline_lowered:
0x8: {  	[smem:$0x3FA0] =	sst s0  }
0x9: {  	[smem:$0x3FA1] =	sst s1  }
0xa: {  	[smem:$0x3FA2] =	sst s2  }
0xb: {  	[smem:$0x3FA3] =	sst s3  }
0xc: {  	[smem:$0x3FA4] =	sst s4  }
0xd: {  	[smem:$0x3FA5] =	sst s5  }
0xe: {  	[smem:$0x3FA6] =	sst s6  }
0xf: {  	[smem:$0x3FA7] =	sst s7  }
0x10: {  	[smem:$0x3FA8] =	sst s8  }
0x11: {  	[smem:$0x3FA9] =	sst s9;
	s0 =	simm.s32 @!p0 $0x0  }
0x12: {  	s1 =	sld [smem:$0x3F8F];
	s0 =	simm.s32 @p0 $0x1  }
0x13: {  	[smem:$0x3FAA] =	sst s0;
	s0 =	simm.s32 @!p1 $0x0  }
0x14: {  	s2 =	sld [smem:$0x3F8E];
	s0 =	simm.s32 @p1 $0x1  }
0x15: {  	[smem:$0x3FAB] =	sst s0;
	s0 =	simm.s32 @!p2 $0x0  }
0x16: {  	s3 =	sld [smem:$0x3FDB];
	s0 =	simm.s32 @p2 $0x1  }
0x17: {  	s4 =	simm.s32 $0x1BF5;
	[smem:$0x3FAD] =	sst s0  }
0x18: {  	s0 =	sld [smem:$0x3F90];
	_ =	swait.ge [sflag:s4], $0x0  }
0x19: {  	s7 =	sld [smem:$0x3F91]  }
0x1a: {  	s8 =	sadd.s32 $0xFFFFE003, lr  }
0x1b: {  	s9 =	sadd.s32 $0xFFFFFEF7, lr;
	s5 =	simm.s32 $0xFFFFFFFF;
	p2 =	slt.u32 s8, $0xFFFFF086  }
0x1c: {  	p1 =	slt.u32 s9, $0xF7A;
	s5 =	simm.s32 @!p2 $0x0  }
0x1d: {  	s5 =	simm.s32 @p1 $0x1;
	p0 =	seq.s32 s7, s2  }
0x1e: {  	s7 =	smul.u32 @!p0 $0xF7A, s2;
	p2 =	seq.s32 @!p0 s5, $0x0  }
0x1f: {  	s9 =	smul.u32 $0xF7A, s1;
	s8 =	simm.s32 @!p0 $0x1BF5;
	p2 =	por !p2, p0  }
0x20: {  	[sflag:s8] =	ssyncset.s32 @!p0 $0xFFFFF086;
	s6 =	sadd.s32 @!p0 s3, s7;
	s7 =	simm.s32 @!p0 $0x108  }
0x21: {  	s3 =	sadd.s32 s3, s9;
	s6 =	sadd.s32 @!p0 $0x88, s6;
	s7 =	simm.s32 @p2 $0x1082  }
0x22: {  	[simem:s7], [sflag:s8] =	dma.local @!p0 [hbm:s6], $0xF7A  }
0x23: {  	s9 =	sor.u32 $0xD0000000, s2;
	s6 =	simm.s32 $0x108;
	_ =	swait.ge @!p0 [sflag:s8], $0x0  }
0x24: {  	s3 =	sadd.s32 $0x88, s3;
	s6 =	simm.s32 @!p1 $0x1082;
	[sflag:s4] =	ssyncset.s32 $0xFFFFF086  }
0x25: {  	[simem:s6], [sflag:s4] =	dma.local [hbm:s3], $0xF7A  }
0x26: {  	[smem:$0x3F91] =	sst s1;
	(tag) =	ssettag s2;
	_ =	strace s9  }
0x27: {  	s1 =	sld [smem:$0x3FA1]  }
0x28: {  	s2 =	sld [smem:$0x3FA2]  }
0x29: {  	s4 =	sld [smem:$0x3FA4]  }
0x2a: {  	p0 =	seq.s32 s5, $0x0;
	s5 =	sld [smem:$0x3FA5]  }
0x2b: {  	s6 =	sld [smem:$0x3FA6]  }
0x2c: {  	s7 =	sld [smem:$0x3FA7]  }
0x2d: {  	s3 =	simm.s32 $0x108;
	s8 =	sld [smem:$0x3FA8]  }
0x2e: {  	s3 =	simm.s32 @!p0 $0x1082;
	s9 =	sld [smem:$0x3FA9]  }
0x2f: {  	lr =	sadd.s32 s0, s3;
	s0 =	sld [smem:$0x3FA0]  }
0x30: {  	s3 =	sld [smem:$0x3FA3]  }
0x31: {  	[smem:$0x3FAC] =	sst s10  }
0x32: {  	s10 =	sld [smem:$0x3FAA];
	_ =	sdelay $0x3  }
0x33: {  	p0 =	seq.s32 s10, $0x1;
	s10 =	sld [smem:$0x3FAC];
	_ =	sdelay $0x3  }
0x34: {  	[smem:$0x3FAC] =	sst s10  }
0x35: {  	s10 =	sld [smem:$0x3FAB];
	_ =	sdelay $0x3  }
0x36: {  	p1 =	seq.s32 s10, $0x1;
	s10 =	sld [smem:$0x3FAC];
	_ =	sdelay $0x3  }
0x37: {  	[smem:$0x3FAC] =	sst s10  }
0x38: {  	s10 =	sld [smem:$0x3FAD]  }
0x39: {  	_ = 	snop;
	(pc) =	sbr.ind lr, $3  }
0x3a: {  	_ = 	snop  }
0x3b: {  	_ = 	snop  }
0x3c: {  	p2 =	seq.s32 s10, $0x1;
	s10 =	sld [smem:$0x3FAC]  }
0x3d: {  	_ =	shalt  }
0x3e: {  	_ =	shalt  }
0x3f: {  	_ =	shalt  }
0x40: {  	_ =	shalt  }
0x41: {  	_ =	shalt  }
0x42: {  	_ =	shalt  }
0x43: {  	_ =	shalt  }
0x44: {  	_ =	shalt  }
0x45: {  	_ =	shalt  }
0x46: {  	_ =	shalt  }
0x47: {  	_ =	shalt  }
0x48: {  	_ =	shalt  }
0x49: {  	_ =	shalt  }
0x4a: {  	_ =	shalt  }
0x4b: {  	_ =	shalt  }
0x4c: {  	_ =	shalt  }
0x4d: {  	_ =	shalt  }
0x4e: {  	_ =	shalt  }
0x4f: {  	_ =	shalt  }
0x50: {  	_ =	shalt  }
0x51: {  	_ =	shalt  }
0x52: {  	_ =	shalt  }
0x53: {  	_ =	shalt  }
0x54: {  	_ =	shalt  }
0x55: {  	_ =	shalt  }
0x56: {  	_ =	shalt  }
0x57: {  	_ =	shalt  }
0x58: {  	_ =	shalt  }
0x59: {  	_ =	shalt  }
0x5a: {  	_ =	shalt  }
0x5b: {  	_ =	shalt  }
0x5c: {  	_ =	shalt  }
0x5d: {  	_ =	shalt  }
0x5e: {  	_ =	shalt  }
0x5f: {  	_ =	shalt  }
0x60: {  	_ =	shalt  }
0x61: {  	_ =	shalt  }
0x62: {  	_ =	shalt  }
0x63: {  	_ =	shalt  }
0x64: {  	_ =	shalt  }
0x65: {  	_ =	shalt  }
0x66: {  	_ =	shalt  }
0x67: {  	_ =	shalt  }
0x68: {  	_ =	shalt  }
0x69: {  	_ =	shalt  }
0x6a: {  	_ =	shalt  }
0x6b: {  	_ =	shalt  }
0x6c: {  	_ =	shalt  }
0x6d: {  	_ =	shalt  }
0x6e: {  	_ =	shalt  }
0x6f: {  	_ =	shalt  }
0x70: {  	_ =	shalt  }
0x71: {  	_ =	shalt  }
0x72: {  	_ =	shalt  }
0x73: {  	_ =	shalt  }
0x74: {  	_ =	shalt  }
0x75: {  	_ =	shalt  }
0x76: {  	_ =	shalt  }
0x77: {  	_ =	shalt  }
0x78: {  	_ =	shalt  }
0x79: {  	_ =	shalt  }
0x7a: {  	_ =	shalt  }
0x7b: {  	_ =	shalt  }
0x7c: {  	_ =	shalt  }
0x7d: {  	_ =	shalt  }
0x7e: {  	_ =	shalt  }
0x7f: {  	_ =	shalt  }
0x80: {  	_ =	shalt  }
0x81: {  	_ =	shalt  }
0x82: {  	_ =	shalt  }
0x83: {  	_ =	shalt  }
0x84: {  	_ =	shalt  }
0x85: {  	_ =	shalt  }
0x86: {  	_ =	shalt  }
0x87: {  	_ =	shalt  }
.Lfunc_end0:
.L_simem_size_0:
called_computation.1_lowered:
.L_overlay_start_0:
0x88: {  	s2 =	sld [smem:$0x3FD9]  }
0x89: {  	s3 =	sld [smem:$0x3FFE];
	_ =	sdelay $0x1  }
0x8a: {  	s1 =	srdreg.scid  }
0x8b: {  	s0 =	sand.u32 $0x1, s1  }
0x8c: {  	s16 =	sshll.u32 s0, $0xA;
	s2 =	sadd.s32 s3, s2  }
0x8d: {  	s2 =	sadd.s32 s2, s16  }
0x8e: {  	[smem:$0x3FB8] =	sst s2  }
0x8f: {  	_ = 	snop  }
0x90: {  	(tm) =	ssettm $0x1  }
0x91: {  	s17 =	sld [smem:$0x3FFB];
	_ =	sdelay $0x3  }
0x92: {  	_ =	strace s17  }
0x93: {  	s2 =	sld [smem:$0x3FFC];
	_ =	sdelay $0x3  }
0x94: {  	_ =	strace s2  }
0x95: {  	s2 =	sld [smem:$0x3FFD];
	_ =	sdelay $0x3  }
0x96: {  	_ =	strace s2  }
0x97: {  	_ =	strace $0x8FFFFFFF  }
0x98: {  	s18 =	sld [smem:$0x3FDB];
	_ =	sdelay $0x1  }
0x99: {  	s19 =	simm.s32 $_scs_section_size  }
0x9a: {  	s4 =	simm.s32 $_size__tile_overlayer_lowered;
	s5 =	simm.s32 $_tile_overlayer_lowered  }
0x9b: {  	s22 =	simm.s32 $0x1BFF;
	s21 =	sshll.u32 s5, $0x1;
	s2 =	sadd.s32 s19, s18  }
0x9c: {  	s6 =	simm.s32 $0x0;
	s20 =	sshll.u32 s4, $0x1;
	s4 =	sadd.s32 s21, s2  }
0x9d: {  	[timem:s6], [sflag:s22] =	dma.local [hbm:s4], s20  }
0x9e: {  	_ =	swait.ge [sflag:s22], s20  }
0x9f: {  	s3 =	ssub.s32 $0x0, s20;
	[sflag:s22] =	ssyncset.done $0x0  }
0xa0: {  	[sflag:s22] =	ssyncadd.s32 s3;
	_ =	sdelay $0x1  }
0xa1: {  	s23 =	simm.s32 $0x1B8B  }
0xa2: {  	_ =	swait.ge [sflag:s23], $0x1  }
0xa3: {  	[sflag:s23] =	ssyncset.done $0x0  }
0xa4: {  	s25 =	simm.s32 $0x1B8E;
	s24 =	sld [smem:$0x3FFE];
	[sflag:s23] =	ssyncadd.s32 $0xFFFFFFFF  }
0xa5: {  	s26 =	simm.s32 $execute0_lowered;
	[smem:$0x3FD2] =	sst s25  }
0xa6: {  	s4 =	sshll.u32 s26, $0x1;
	_ =	strace $0x80000046;
	[dreg:$0x1] =	wrdreg $0xFFFFFFFF  }
0xa7: {  	s28 =	simm.s32 $_size_execute0_lowered;
	s2 =	sadd.s32 s2, s4;
	[dreg:$0x0] =	wrdreg $0x0  }
0xa8: {  	s4 =	sshll.u32 s28, $0x1;
	[dreg:$0x2] =	wrdreg s2  }
0xa9: {  	[dreg:$0x3] =	wrdreg s4  }
0xaa: {  	[dreg:$0x4] =	wrdreg $0xC0  }
0xab: {  	_ =	task [dreg:s6], $0x5FFFF  }
0xac: {  	[dreg:$0x1] =	wrdreg $0xFFFFFFFF  }
0xad: {  	[dreg:$0x0] =	wrdreg $0x60  }
0xae: {  	[dreg:$0x2] =	wrdreg s24  }
0xaf: {  	[dreg:$0x3] =	wrdreg $0xA  }
0xb0: {  	_ =	task.clear_ibuf [dreg:s6], $0x4FFFF;
	_ =	strace $0x90000046  }
0xb1: {  	s29 =	simm.s32 $0xA;
	_ =	strace $0x80000048  }
0xb2: {  	_ =	swait.ge [sflag:s29], $0x1  }
0xb3: {  	[sflag:s29] =	ssyncadd.s32 $0xFFFFFFFF  }
0xb4: {  	_ =	strace $0x90000048  }
0xb5: {  	_ =	sfence  }
0xb6: {  	s30 =	sld [smem:$0x0];
	_ =	sdelay $0x2  }
0xb7: {  	s31 =	sshll.u32 s1, $0xD;
	s1 =	sshrl.u32 s1, $0x2  }
0xb8: {  	s3 =	sand.u32 $0x4000, s31;
	s1 =	sadd.s32 s1, s30  }
0xb9: {  	s0 =	sor.u32 s3, s0;
	s1 =	sshll.u32 s1, $0x11  }
0xba: {  	s0 =	sor.u32 s1, s0  }
0xbb: {  	s0 =	sadd.s32 $0x8F2B, s0  }
0xbc: {  	[sflag:s0] =	ssyncadd.remote.s32 $0x1  }
0xbd: {  	_ =	sfence.sel $0xFFFF  }
0xbe: {  	[dreg:$0x0] =	wrdreg $0xFFFFFFFF;
	(pc) =	sbr.abs _section_cstart, $3  }
0xbf: {  	[dreg:$0x1] =	wrdreg $0xFFFFFFFF  }
0xc0: {  	_ =	task.clear_ibuf [dreg:s6], $0x2FFFF;
	_ =	strace $0x9FFFFFFF  }
0xc1: {  	(tm) =	ssettm $0x7FFFFFFF  }
tec
execute0_lowered:
.L_overlay_start_1:
0x0: {  	(tag) =	ssettag $0x1  }
0x1: {  	s0 =	srdreg.scid  }
0x2: {  	s1 =	sshll.u32 s0, $0x4  }
0x3: {  	s0 =	stileid.u32;
	s1 =	sand.u32 $0x10, s1  }
0x4: {  	s1 =	sor.u32 s0, s1  }
0x5: {  	s2 =	smin.u32 s1, $0x8  }
0x6: {  	s2 =	sadd.s32 s1, s2  }
0x7: {  	p0 =	slt.u32 s1, $0x8;
	s1 =	simm.s32 $0x90;
	s2 =	smul.u32 $0x48, s2  }
0x8: {  	s1 =	simm.s32 @!p0 $0x48  }
0x9: {  	s1 =	sadd.s32 s1, s2  }
0xa: {  	s3 =	smin.u32 s1, $0xB40  }
0xb: {  	s7 =	ssub.s32 s3, s2  }
0xc: {  	p0 =	sgt.s32 s7, $0x0  }
0xd: {  	s7 =	simm.s32 @!p0 $0x0  }
0xe: {  	s31 =	smul.u32 $0xE38F, s7  }
0xf: {  	s9 =	rddreg [dreg:$0x0];
	s6 =	simm.s32 $0x1;
	s11 =	simm.s32 $0x3  }
0x10: {  	s13 =	simm.s32 $0x0;
	s12 =	simm.s32 $0x0;
	s8 =	sshrl.u32 s31, $0x16  }
0x11: {  	s4 =	sadd.s32 $0x4000, s9;
	s5 =	sadd.s32 $0x3E00, s9;
	s10 =	smul.u32 $0x48, s8  }
.Ltmp0:
0x12: {  	s9 =	sadd.s32 $0x17C00, s9;
	s1 =	rddreg [dreg:$0x1];
	(pc) =	sbr.rel .LBB2_1-.Ltmp0, $4  }
0x13: {  	_ =	strace $0x80000047;
	p0 =	sne.s32 s7, s10;
	s10 =	simm.s32 $0x1  }
0x14: {  	[sflag:s6] =	ssyncpa.u1 $0x0;
	s7 =	simm.s32 $0x2;
	s10 =	simm.s32 @!p0 $0x0  }
0x15: {  	[sflag:s7] =	ssyncpa.u1 $0x0;
	p0 =	por $0x0, $0x0;
	s8 =	sadd.s32 s8, s10  }
0x16: {  	vm0 =	vmmov $0xff;
	vm1 =	vcmask $0x3F20;
	[sflag:s11] =	ssyncpa.u1 $0x0;
	s11 =	smov.u32 s2;
	s10 =	sadd.s32 $0x1, s8  }
.LBB2_6:
0x17: {  	[hbm:s17] =	stream.linear.scatter [tilespmem:s14], [sflag:$0x3], $0x400, $0x38;
	[tilespmem:$0x4890] =	vst v63  }
.LBB2_7:
0x18: {  	s13 =	sadd.s32 $0x48, s11  }
0x19: {  	s15 =	smov.u32 s2;
	p2 =	slt.s32 s13, s3  }
0x1a: {  	s15 =	smov.u32 @p2 s13;
	p2 =	sne.s32 s12, s10  }
.Ltmp1:
0x1b: {  	p1 =	slt.u32 s12, $0x2;
	(pc) =	sbr.rel @!p2 .LBB2_8-.Ltmp1, $4  }
0x1c: {  	s14 =	simm.s32 @!p1 $0x3  }
0x1d: {  	s16 =	sadd.s32 $0x1, s12;
	_ =	swait.ge @!p1 [sflag:s14], $0x2400  }
0x1e: {  	p0 =	por !p0, !p0;
	s13 =	smov.u32 s11;
	[sflag:s14] =	ssyncset.done @!p1 $0x0  }
0x1f: {  	s12 =	smov.u32 s16;
	s11 =	smov.u32 s15;
	[sflag:s14] =	ssyncadd.s32 @!p1 $0xFFFFDC00  }
.LBB2_1:
0x20: {  	p1 =	sge.u32 s12, s8  }
0x21: {  	s14 =	sxor.u32 @!p1 $0xFFFFFFFF, s12  }
0x22: {  	s14 =	sand.u32 @!p1 $0x1, s14  }
0x23: {  	s14 =	smul.u32 @!p1 $0x120, s14  }
0x24: {  	s31 =	sadd.s32 $0xFFFFFFFF, s12;
	s15 =	sshrl.u32 @!p1 s11, $0x3  }
0x25: {  	s16 =	sand.u32 @!p1 $0x7, s11;
	s15 =	sadd.s32 @!p1 s5, s15;
	s14 =	sshrl.u32 @!p1 s14, $0x2  }
0x26: {  	[tilespmem:s14], [sflag:$0x2] =	stream.linear.gather @!p1 [hbm4b:s15+s16], $0x48, $0x38;
	[tilespmem:$0x4890] =	vst v63  }
0x27: {  	p1 =	sge.u32 s31, s8  }
.Ltmp2:
0x28: {  	_ = 	snop;
	(pc) =	sbr.rel @p1 .LBB2_7-.Ltmp2, $1  }
0x29: {  	_ =	sdelay $0x3  }
0x2a: {  	s14 =	simm.s32 $0x1  }
0x2b: {  	s14 =	simm.s32 @!p0 $0x0  }
0x2c: {  	s15 =	smul.u32 $0x120, s14  }
0x2d: {  	_ =	swait.ge [sflag:s7], $0x48  }
0x2e: {  	[sflag:s7] =	ssyncset.done $0x0;
	s16 =	sshrl.u32 s15, $0x2  }
0x2f: {  	[sflag:s7] =	ssyncadd.s32 $0xFFFFFFB8;
	s15 =	sadd.s32 $0x0, s16  }
0x30: {  	v0 =	vld.msk [tilespmem:s15+$0x0 ss:$0x1], $0xffff;
	_ =	sdelay $0x4  }
0x31: {  	vm2 =	vgt.s32 v0, $0x0  }
0x32: {  	v0 =	vnsel vm2, $0x0, v0  }
0x33: {  	v0 =	vmin.u32 v0, $0x9CF  }
0x34: {  	v0 =	vshll.u32 v0, $0x4  }
0x35: {  	s14 =	smul.u32 $0x9000, s14  }
0x36: {  	s31 =	sand.u32 $0x1, s12  }
0x37: {  	s17 =	smul.u32 $0x120, s31;
	s14 =	sshrl.u32 s14, $0x2  }
0x38: {  	s19 =	smul.u32 $0x9000, s31;
	s14 =	sor.u32 $0x90, s14  }
0x39: {  	[tilespmem:s14], [sflag:$0x1] =	stream.indirect_vreg.gather [hbm:s4], $0x80, v0, vm0, $0x38;
	[tilespmem:$0x4890] =	vst v63  }
0x3a: {  	s18 =	sshrl.u32 s17, $0x2;
	s20 =	sadd.s32 $0x10, s16;
	s15 =	sadd.s32 $0x400, s14  }
0x3b: {  	[tilespmem:s15], [sflag:$0x1] =	stream.indirect_vreg.gather [hbm:s4], $0x80, v0, vm1, $0x38;
	[tilespmem:$0x4890] =	vst v63  }
0x3c: {  	s17 =	sshrl.u32 s19, $0x2;
	s19 =	smov.u32 s14;
	v0 =	vld.msk [tilespmem:s20+$0x0 ss:$0x1], $0xffff;
	s20 =	simm.s32 $0x80  }
.LBB2_3:
0x3d: {  	p1 =	sne.s32 s20, $0xC0;
	_ =	sdelay $0x4  }
0x3e: {  	vm2 =	vgt.s32 v0, $0x0  }
0x3f: {  	v0 =	vnsel vm2, $0x0, v0  }
0x40: {  	v0 =	vmin.u32 v0, $0x9CF  }
0x41: {  	v0 =	vshll.u32 v0, $0x4;
	_ =	sdelay $0x3  }
.Ltmp3:
0x42: {  	s21 =	sshra.s32 s20, $0x2;
	s19 =	sadd.s32 $0x800, s19;
	(pc) =	sbr.rel @p1 .LBB2_3-.Ltmp3, $4  }
0x43: {  	[tilespmem:s19], [sflag:$0x1] =	stream.indirect_vreg.gather [hbm:s4], $0x80, v0, vm0, $0x38;
	[tilespmem:$0x4890] =	vst v63  }
0x44: {  	s21 =	sadd.s32 s21, s16;
	s22 =	sadd.s32 $0x400, s19  }
0x45: {  	[tilespmem:s22], [sflag:$0x1] =	stream.indirect_vreg.gather [hbm:s4], $0x80, v0, vm1, $0x38;
	[tilespmem:$0x4890] =	vst v63  }
0x46: {  	s20 =	sadd.s32 $0x40, s20;
	v0 =	vld.msk [tilespmem:s21+$0x0 ss:$0x1], $0xffff  }
0x47: {  	_ =	sdelay $0x3  }
0x48: {  	vm2 =	vgt.s32 v0, $0x0  }
0x49: {  	v0 =	vnsel vm2, $0x0, v0  }
0x4a: {  	v0 =	vmin.u32 v0, $0x9CF  }
0x4b: {  	v0 =	vshll.u32 v0, $0x4;
	_ =	sdelay $0x3  }
0x4c: {  	s16 =	sadd.s32 $0x800, s19  }
0x4d: {  	[tilespmem:s16], [sflag:$0x1] =	stream.indirect_vreg.gather [hbm:s4], $0x80, v0, vm0, $0x38;
	[tilespmem:$0x4890] =	vst v63  }
0x4e: {  	s16 =	sadd.s32 $0x400, s16  }
0x4f: {  	[tilespmem:s16], [sflag:$0x1] =	stream.indirect_vreg.gather [hbm:s4], $0x80, v0, vm1, $0x38;
	[tilespmem:$0x4890] =	vst v63  }
0x50: {  	v0 =	vld.msk [tilespmem:s18+$0x40 ss:$0x1], $0xff;
	_ =	sdelay $0x4  }
0x51: {  	vm2 =	vgt.s32 v0, $0x0  }
0x52: {  	v0 =	vnsel vm2, $0x0, v0  }
0x53: {  	v0 =	vmin.u32 v0, $0x9CF  }
0x54: {  	v0 =	vshll.u32 v0, $0x4;
	_ =	sdelay $0x3  }
0x55: {  	s31 =	sadd.s32 $0x2090, s17  }
0x56: {  	[tilespmem:s31], [sflag:$0x1] =	stream.indirect_vreg.gather [hbm:s4], $0x80, v0, vm0, $0x38;
	[tilespmem:$0x4890] =	vst v63  }
0x57: {  	s13 =	sshll.u32 s13, $0x4;
	_ =	swait.ge [sflag:s6], $0x2400  }
0x58: {  	s13 =	sadd.s32 s13, s9;
	[sflag:s6] =	ssyncset.done $0x0  }
0x59: {  	s17 =	sadd.s32 $0x0, s13;
	s16 =	simm.s32 $0x80;
	[sflag:s6] =	ssyncadd.s32 $0xFFFFDC00  }
.LBB2_5:
0x5a: {  	[hbm:s17] =	stream.linear.scatter [tilespmem:s14], [sflag:$0x3], $0x400, $0x38;
	[tilespmem:$0x4890] =	vst v63  }
0x5b: {  	s17 =	smov.u32 s16;
	s14 =	smov.u32 s15;
	p1 =	sne.s32 s16, $0x400  }
.Ltmp4:
0x5c: {  	s16 =	sadd.s32 $0x80, s16;
	(pc) =	sbr.rel @p1 .LBB2_5-.Ltmp4, $2  }
0x5d: {  	_ =	sdelay $0x2  }
0x5e: {  	s15 =	sadd.s32 $0x400, s15;
	s17 =	sadd.s32 s17, s13  }
.Ltmp5:
0x5f: {  	_ = 	snop;
	(pc) =	sbr.rel .LBB2_6-.Ltmp5, $1  }
0x60: {  	_ =	sdelay $0x3  }
.LBB2_8:
0x61: {  	_ =	sfence.sel $0x180000  }
0x62: {  	s2 =	simm.s32 $0x2;
	[bflag:$0x0] =	sbarrier.arrive $0xFFFF  }
0x63: {  	s30 =	simm.s32 $0x3;
	[sflag:s2] =	ssyncpa.u1 $0x1  }
0x64: {  	s31 =	simm.s32 $0x1;
	[sflag:s30] =	ssyncpa.u1 $0x1  }
0x65: {  	[sflag:s31] =	ssyncpa.u1 $0x1  }
0x66: {  	p0 =	sne.s32 s0, $0x0;
	_ =	strace $0x90000047  }
0x67: {  	s0 =	sadd.s32 @!p0 $0x100000, s1;
	[bflag:$0x2] =	sbarrier.arrive $0xFFFF  }
0x68: {  	[sflag:s0] =	ssyncadd.tile.s32 @!p0 $0x1;
	_ =	shalt  }
.Lfunc_end2:
_tile_overlayer_lowered:
.L_overlay_start_2:
0x69: {  	(tag) =	ssettag $0x2  }
0x6a: {  	s0 =	rddreg [dreg:$0x0];
	s2 =	stileid.u32  }
0x6b: {  	s1 =	rddreg [dreg:$0x1];
	p0 =	sne.s32 s2, $0x0  }
0x6c: {  	s3 =	rddreg [dreg:$0x2];
	[bflag:$0x3] =	sbarrier.arrive $0xFFFF;
	s2 =	simm.s32 @!p0 $0x1C01  }
0x6d: {  	[timem:s3], [sflag:s2] =	dma.local @!p0 [hbm:s0], s1  }
0x6e: {  	s0 =	simm.s32 @!p0 $0x1  }
0x6f: {  	_ =	swait.ge @!p0 [sflag:s0], s1  }
0x70: {  	s1 =	ssub.s32 @!p0 $0x0, s1;
	[sflag:s0] =	ssyncset.done @!p0 $0x0  }
0x71: {  	[sflag:s0] =	ssyncadd.s32 @!p0 s1  }
0x72: {  	[bflag:$0x3] =	sbarrier.arrive $0xFFFF  }
0x73: {  	_ =	shalt  }

// kernel: gather_offload_async_start
scs
__scs_entry_jumppad:
0x0: {  	(pc) =	sbr.rel $0x88, $3  }
0x1: {  	(tag) =	ssettag $0x0;
	lr =	simm.s32 $0x1  }
0x2: {  	[smem:$0x3F91] =	sst lr;
	_ =	strace $0xD0000000  }
0x3: {  	_ = 	snop  }
0x4: {  	_ = 	snop  }
0x5: {  	_ = 	snop  }
0x6: {  	_ = 	snop  }
0x7: {  	_ = 	snop  }
__scs_overlays_trampoline_lowered:
0x8: {  	[smem:$0x3FA0] =	sst s0  }
0x9: {  	[smem:$0x3FA1] =	sst s1  }
0xa: {  	[smem:$0x3FA2] =	sst s2  }
0xb: {  	[smem:$0x3FA3] =	sst s3  }
0xc: {  	[smem:$0x3FA4] =	sst s4  }
0xd: {  	[smem:$0x3FA5] =	sst s5  }
0xe: {  	[smem:$0x3FA6] =	sst s6  }
0xf: {  	[smem:$0x3FA7] =	sst s7  }
0x10: {  	[smem:$0x3FA8] =	sst s8  }
0x11: {  	[smem:$0x3FA9] =	sst s9;
	s0 =	simm.s32 @!p0 $0x0  }
0x12: {  	s1 =	sld [smem:$0x3F8F];
	s0 =	simm.s32 @p0 $0x1  }
0x13: {  	[smem:$0x3FAA] =	sst s0;
	s0 =	simm.s32 @!p1 $0x0  }
0x14: {  	s2 =	sld [smem:$0x3F8E];
	s0 =	simm.s32 @p1 $0x1  }
0x15: {  	[smem:$0x3FAB] =	sst s0;
	s0 =	simm.s32 @!p2 $0x0  }
0x16: {  	s3 =	sld [smem:$0x3FDB];
	s0 =	simm.s32 @p2 $0x1  }
0x17: {  	s4 =	simm.s32 $0x1BF5;
	[smem:$0x3FAD] =	sst s0  }
0x18: {  	s0 =	sld [smem:$0x3F90];
	_ =	swait.ge [sflag:s4], $0x0  }
0x19: {  	s7 =	sld [smem:$0x3F91]  }
0x1a: {  	s8 =	sadd.s32 $0xFFFFE003, lr  }
0x1b: {  	s9 =	sadd.s32 $0xFFFFFEF7, lr;
	s5 =	simm.s32 $0xFFFFFFFF;
	p2 =	slt.u32 s8, $0xFFFFF086  }
0x1c: {  	p1 =	slt.u32 s9, $0xF7A;
	s5 =	simm.s32 @!p2 $0x0  }
0x1d: {  	s5 =	simm.s32 @p1 $0x1;
	p0 =	seq.s32 s7, s2  }
0x1e: {  	s7 =	smul.u32 @!p0 $0xF7A, s2;
	p2 =	seq.s32 @!p0 s5, $0x0  }
0x1f: {  	s9 =	smul.u32 $0xF7A, s1;
	s8 =	simm.s32 @!p0 $0x1BF5;
	p2 =	por !p2, p0  }
0x20: {  	[sflag:s8] =	ssyncset.s32 @!p0 $0xFFFFF086;
	s6 =	sadd.s32 @!p0 s3, s7;
	s7 =	simm.s32 @!p0 $0x108  }
0x21: {  	s3 =	sadd.s32 s3, s9;
	s6 =	sadd.s32 @!p0 $0x88, s6;
	s7 =	simm.s32 @p2 $0x1082  }
0x22: {  	[simem:s7], [sflag:s8] =	dma.local @!p0 [hbm:s6], $0xF7A  }
0x23: {  	s9 =	sor.u32 $0xD0000000, s2;
	s6 =	simm.s32 $0x108;
	_ =	swait.ge @!p0 [sflag:s8], $0x0  }
0x24: {  	s3 =	sadd.s32 $0x88, s3;
	s6 =	simm.s32 @!p1 $0x1082;
	[sflag:s4] =	ssyncset.s32 $0xFFFFF086  }
0x25: {  	[simem:s6], [sflag:s4] =	dma.local [hbm:s3], $0xF7A  }
0x26: {  	[smem:$0x3F91] =	sst s1;
	(tag) =	ssettag s2;
	_ =	strace s9  }
0x27: {  	s1 =	sld [smem:$0x3FA1]  }
0x28: {  	s2 =	sld [smem:$0x3FA2]  }
0x29: {  	s4 =	sld [smem:$0x3FA4]  }
0x2a: {  	p0 =	seq.s32 s5, $0x0;
	s5 =	sld [smem:$0x3FA5]  }
0x2b: {  	s6 =	sld [smem:$0x3FA6]  }
0x2c: {  	s7 =	sld [smem:$0x3FA7]  }
0x2d: {  	s3 =	simm.s32 $0x108;
	s8 =	sld [smem:$0x3FA8]  }
0x2e: {  	s3 =	simm.s32 @!p0 $0x1082;
	s9 =	sld [smem:$0x3FA9]  }
0x2f: {  	lr =	sadd.s32 s0, s3;
	s0 =	sld [smem:$0x3FA0]  }
0x30: {  	s3 =	sld [smem:$0x3FA3]  }
0x31: {  	[smem:$0x3FAC] =	sst s10  }
0x32: {  	s10 =	sld [smem:$0x3FAA];
	_ =	sdelay $0x3  }
0x33: {  	p0 =	seq.s32 s10, $0x1;
	s10 =	sld [smem:$0x3FAC];
	_ =	sdelay $0x3  }
0x34: {  	[smem:$0x3FAC] =	sst s10  }
0x35: {  	s10 =	sld [smem:$0x3FAB];
	_ =	sdelay $0x3  }
0x36: {  	p1 =	seq.s32 s10, $0x1;
	s10 =	sld [smem:$0x3FAC];
	_ =	sdelay $0x3  }
0x37: {  	[smem:$0x3FAC] =	sst s10  }
0x38: {  	s10 =	sld [smem:$0x3FAD]  }
0x39: {  	_ = 	snop;
	(pc) =	sbr.ind lr, $3  }
0x3a: {  	_ = 	snop  }
0x3b: {  	_ = 	snop  }
0x3c: {  	p2 =	seq.s32 s10, $0x1;
	s10 =	sld [smem:$0x3FAC]  }
0x3d: {  	_ =	shalt  }
0x3e: {  	_ =	shalt  }
0x3f: {  	_ =	shalt  }
0x40: {  	_ =	shalt  }
0x41: {  	_ =	shalt  }
0x42: {  	_ =	shalt  }
0x43: {  	_ =	shalt  }
0x44: {  	_ =	shalt  }
0x45: {  	_ =	shalt  }
0x46: {  	_ =	shalt  }
0x47: {  	_ =	shalt  }
0x48: {  	_ =	shalt  }
0x49: {  	_ =	shalt  }
0x4a: {  	_ =	shalt  }
0x4b: {  	_ =	shalt  }
0x4c: {  	_ =	shalt  }
0x4d: {  	_ =	shalt  }
0x4e: {  	_ =	shalt  }
0x4f: {  	_ =	shalt  }
0x50: {  	_ =	shalt  }
0x51: {  	_ =	shalt  }
0x52: {  	_ =	shalt  }
0x53: {  	_ =	shalt  }
0x54: {  	_ =	shalt  }
0x55: {  	_ =	shalt  }
0x56: {  	_ =	shalt  }
0x57: {  	_ =	shalt  }
0x58: {  	_ =	shalt  }
0x59: {  	_ =	shalt  }
0x5a: {  	_ =	shalt  }
0x5b: {  	_ =	shalt  }
0x5c: {  	_ =	shalt  }
0x5d: {  	_ =	shalt  }
0x5e: {  	_ =	shalt  }
0x5f: {  	_ =	shalt  }
0x60: {  	_ =	shalt  }
0x61: {  	_ =	shalt  }
0x62: {  	_ =	shalt  }
0x63: {  	_ =	shalt  }
0x64: {  	_ =	shalt  }
0x65: {  	_ =	shalt  }
0x66: {  	_ =	shalt  }
0x67: {  	_ =	shalt  }
0x68: {  	_ =	shalt  }
0x69: {  	_ =	shalt  }
0x6a: {  	_ =	shalt  }
0x6b: {  	_ =	shalt  }
0x6c: {  	_ =	shalt  }
0x6d: {  	_ =	shalt  }
0x6e: {  	_ =	shalt  }
0x6f: {  	_ =	shalt  }
0x70: {  	_ =	shalt  }
0x71: {  	_ =	shalt  }
0x72: {  	_ =	shalt  }
0x73: {  	_ =	shalt  }
0x74: {  	_ =	shalt  }
0x75: {  	_ =	shalt  }
0x76: {  	_ =	shalt  }
0x77: {  	_ =	shalt  }
0x78: {  	_ =	shalt  }
0x79: {  	_ =	shalt  }
0x7a: {  	_ =	shalt  }
0x7b: {  	_ =	shalt  }
0x7c: {  	_ =	shalt  }
0x7d: {  	_ =	shalt  }
0x7e: {  	_ =	shalt  }
0x7f: {  	_ =	shalt  }
0x80: {  	_ =	shalt  }
0x81: {  	_ =	shalt  }
0x82: {  	_ =	shalt  }
0x83: {  	_ =	shalt  }
0x84: {  	_ =	shalt  }
0x85: {  	_ =	shalt  }
0x86: {  	_ =	shalt  }
0x87: {  	_ =	shalt  }
.Lfunc_end0:
.L_simem_size_0:
called_computation_lowered:
.L_overlay_start_0:
0x88: {  	s2 =	sld [smem:$0x3FD9]  }
0x89: {  	s3 =	sld [smem:$0x3FFE];
	_ =	sdelay $0x1  }
0x8a: {  	s1 =	srdreg.scid  }
0x8b: {  	s0 =	sand.u32 $0x1, s1  }
0x8c: {  	s17 =	sshll.u32 s0, $0xA;
	s2 =	sadd.s32 s3, s2  }
0x8d: {  	s2 =	sadd.s32 s2, s17  }
0x8e: {  	[smem:$0x3FB8] =	sst s2  }
0x8f: {  	_ = 	snop  }
0x90: {  	(tm) =	ssettm $0x1  }
0x91: {  	s18 =	sld [smem:$0x3FFB];
	_ =	sdelay $0x3  }
0x92: {  	_ =	strace s18  }
0x93: {  	s2 =	sld [smem:$0x3FFC];
	_ =	sdelay $0x3  }
0x94: {  	_ =	strace s2  }
0x95: {  	s2 =	sld [smem:$0x3FFD];
	_ =	sdelay $0x3  }
0x96: {  	_ =	strace s2  }
0x97: {  	_ =	strace $0x8FFFFFFF  }
0x98: {  	s19 =	sld [smem:$0x3FDB];
	_ =	sdelay $0x1  }
0x99: {  	s20 =	simm.s32 $_scs_section_size  }
0x9a: {  	s4 =	simm.s32 $_size__tile_overlayer_lowered;
	s5 =	simm.s32 $_tile_overlayer_lowered  }
0x9b: {  	s6 =	simm.s32 $0x1BFF;
	s21 =	sshll.u32 s5, $0x1;
	s3 =	sadd.s32 s20, s19  }
0x9c: {  	s22 =	simm.s32 $0x0;
	s4 =	sshll.u32 s4, $0x1;
	s5 =	sadd.s32 s21, s3  }
0x9d: {  	[timem:s22], [sflag:s6] =	dma.local [hbm:s5], s4  }
0x9e: {  	_ =	swait.ge [sflag:s6], s4  }
0x9f: {  	s4 =	ssub.s32 $0x0, s4;
	[sflag:s6] =	ssyncset.done $0x0  }
0xa0: {  	[sflag:s6] =	ssyncadd.s32 s4;
	_ =	sdelay $0x1  }
0xa1: {  	s23 =	simm.s32 $0x1B8B  }
0xa2: {  	_ =	swait.ge [sflag:s23], $0x1  }
0xa3: {  	[sflag:s23] =	ssyncset.done $0x0  }
0xa4: {  	[sflag:s23] =	ssyncadd.s32 $0xFFFFFFFF  }
0xa5: {  	s4 =	sld [smem:$0x0]  }
0xa6: {  	s5 =	sand.u32 $0xFFFFFFFE, s1  }
0xa7: {  	p0 =	sne.s32 s1, s5  }
0xa8: {  	s5 =	sshll.u32 @p0 s5, $0xE  }
0xa9: {  	s5 =	sadd.s32 @p0 $0x11B8D, s5;
	s6 =	sshll.u32 @p0 s4, $0x11  }
0xaa: {  	s5 =	sor.u32 @p0 s6, s5  }
0xab: {  	[sflag:s5] =	ssyncadd.remote.s32 @p0 $0x1;
	_ =	sdelay $0x1  }
0xac: {  	s5 =	simm.s32 @p0 $0x1B8D  }
0xad: {  	_ =	swait.eq @p0 [sflag:s5], $0x1  }
0xae: {  	[sflag:s5] =	ssyncadd.s32 @p0 $0xFFFFFFFF  }
0xaf: {  	s6 =	sshll.u32 @!p0 s1, $0xE  }
0xb0: {  	s6 =	sor.u32 @!p0 $0x4000, s6;
	s5 =	simm.s32 @!p0 $0x1B8D  }
0xb1: {  	s4 =	sshll.u32 @!p0 s4, $0x11;
	s6 =	sadd.s32 @!p0 $0x11B8D, s6;
	_ =	swait.eq @!p0 [sflag:s5], $0x1  }
0xb2: {  	s4 =	sor.u32 @!p0 s4, s6;
	[sflag:s5] =	ssyncadd.s32 @!p0 $0xFFFFFFFF  }
0xb3: {  	s25 =	simm.s32 $0x1B8E;
	s24 =	sld [smem:$0x3FFE];
	[sflag:s4] =	ssyncadd.remote.s32 @!p0 $0x1  }
0xb4: {  	s26 =	simm.s32 $execute0_lowered;
	[smem:$0x3FD2] =	sst s25  }
0xb5: {  	s5 =	sshll.u32 s26, $0x1;
	_ =	strace $0x80000049;
	[dreg:$0x1] =	wrdreg $0xFFFFFFFF  }
0xb6: {  	s28 =	simm.s32 $_size_execute0_lowered;
	s3 =	sadd.s32 s3, s5;
	[dreg:$0x0] =	wrdreg $0x0  }
0xb7: {  	s5 =	sshll.u32 s28, $0x1;
	[dreg:$0x2] =	wrdreg s3  }
0xb8: {  	[dreg:$0x3] =	wrdreg s5  }
0xb9: {  	[dreg:$0x4] =	wrdreg $0xC0  }
0xba: {  	_ =	task [dreg:s22], $0x5FFFF  }
0xbb: {  	[dreg:$0x1] =	wrdreg $0xFFFFFFFF  }
0xbc: {  	[dreg:$0x0] =	wrdreg $0x60  }
0xbd: {  	[dreg:$0x2] =	wrdreg s24  }
0xbe: {  	[dreg:$0x3] =	wrdreg $0x9  }
0xbf: {  	_ =	task.clear_ibuf [dreg:s22], $0x4FFFF;
	_ =	strace $0x90000049  }
0xc0: {  	s29 =	simm.s32 $0x9;
	_ =	strace $0x8000004B  }
0xc1: {  	_ =	swait.ge [sflag:s29], $0x1  }
0xc2: {  	[sflag:s29] =	ssyncadd.s32 $0xFFFFFFFF  }
0xc3: {  	_ =	strace $0x9000004B  }
0xc4: {  	_ =	sfence  }
0xc5: {  	s30 =	sld [smem:$0x0];
	_ =	sdelay $0x2  }
0xc6: {  	s31 =	sshll.u32 s1, $0xD;
	s1 =	sshrl.u32 s1, $0x2  }
0xc7: {  	s4 =	sand.u32 $0x4000, s31;
	s1 =	sadd.s32 s1, s30  }
0xc8: {  	s0 =	sor.u32 s4, s0;
	s1 =	sshll.u32 s1, $0x11  }
0xc9: {  	s0 =	sor.u32 s1, s0  }
0xca: {  	s0 =	sadd.s32 $0x8F2B, s0  }
0xcb: {  	[sflag:s0] =	ssyncadd.remote.s32 $0x1  }
0xcc: {  	_ =	sfence.sel $0xFFFF  }
0xcd: {  	[dreg:$0x0] =	wrdreg $0xFFFFFFFF;
	(pc) =	sbr.abs _section_cstart, $3  }
0xce: {  	[dreg:$0x1] =	wrdreg $0xFFFFFFFF  }
0xcf: {  	_ =	task.clear_ibuf [dreg:s22], $0x2FFFF;
	_ =	strace $0x9FFFFFFF  }
0xd0: {  	(tm) =	ssettm $0x7FFFFFFF  }
0xd1: {  	_ =	shalt  }
tec
execute0_lowered:
.L_overlay_start_1:
0x0: {  	(tag) =	ssettag $0x1  }
0x1: {  	s0 =	srdreg.scid  }
0x2: {  	s1 =	sshll.u32 s0, $0x4  }
0x3: {  	s0 =	stileid.u32;
	s1 =	sand.u32 $0x10, s1  }
0x4: {  	s1 =	sor.u32 s0, s1  }
0x5: {  	s2 =	smin.u32 s1, $0x8  }
0x6: {  	s2 =	sadd.s32 s1, s2  }
0x7: {  	p0 =	slt.u32 s1, $0x8;
	s1 =	simm.s32 $0x90;
	s2 =	smul.u32 $0x48, s2  }
0x8: {  	s1 =	simm.s32 @!p0 $0x48  }
0x9: {  	s1 =	sadd.s32 s1, s2  }
0xa: {  	s3 =	smin.u32 s1, $0xB40  }
0xb: {  	s7 =	ssub.s32 s3, s2  }
0xc: {  	p0 =	sgt.s32 s7, $0x0  }
0xd: {  	s7 =	simm.s32 @!p0 $0x0  }
0xe: {  	s31 =	smul.u32 $0xE38F, s7  }
0xf: {  	s9 =	rddreg [dreg:$0x0];
	s6 =	simm.s32 $0x1;
	s11 =	simm.s32 $0x3  }
0x10: {  	s13 =	simm.s32 $0x0;
	s12 =	simm.s32 $0x0;
	s8 =	sshrl.u32 s31, $0x16  }
0x11: {  	s4 =	sadd.s32 $0xDE00, s9;
	s5 =	sadd.s32 $0x3E00, s9;
	s10 =	smul.u32 $0x48, s8  }
.Ltmp0:
0x12: {  	s9 =	sadd.s32 $0x23000, s9;
	s1 =	rddreg [dreg:$0x1];
	(pc) =	sbr.rel .LBB2_1-.Ltmp0, $4  }
0x13: {  	_ =	strace $0x8000004A;
	p0 =	sne.s32 s7, s10;
	s10 =	simm.s32 $0x1  }
0x14: {  	[sflag:s6] =	ssyncpa.u1 $0x0;
	s7 =	simm.s32 $0x2;
	s10 =	simm.s32 @!p0 $0x0  }
0x15: {  	[sflag:s7] =	ssyncpa.u1 $0x0;
	p0 =	por $0x0, $0x0;
	s8 =	sadd.s32 s8, s10  }
0x16: {  	vm0 =	vmmov $0xff;
	vm1 =	vcmask $0x3F20;
	[sflag:s11] =	ssyncpa.u1 $0x0;
	s11 =	smov.u32 s2;
	s10 =	sadd.s32 $0x1, s8  }
.LBB2_6:
0x17: {  	[hbm:s17] =	stream.linear.scatter [tilespmem:s14], [sflag:$0x3], $0x400, $0x38;
	[tilespmem:$0x4890] =	vst v63  }
.LBB2_7:
0x18: {  	s13 =	sadd.s32 $0x48, s11  }
0x19: {  	s15 =	smov.u32 s2;
	p2 =	slt.s32 s13, s3  }
0x1a: {  	s15 =	smov.u32 @p2 s13;
	p2 =	sne.s32 s12, s10  }
.Ltmp1:
0x1b: {  	p1 =	slt.u32 s12, $0x2;
	(pc) =	sbr.rel @!p2 .LBB2_8-.Ltmp1, $4  }
0x1c: {  	s14 =	simm.s32 @!p1 $0x3  }
0x1d: {  	s16 =	sadd.s32 $0x1, s12;
	_ =	swait.ge @!p1 [sflag:s14], $0x2400  }
0x1e: {  	p0 =	por !p0, !p0;
	s13 =	smov.u32 s11;
	[sflag:s14] =	ssyncset.done @!p1 $0x0  }
0x1f: {  	s12 =	smov.u32 s16;
	s11 =	smov.u32 s15;
	[sflag:s14] =	ssyncadd.s32 @!p1 $0xFFFFDC00  }
.LBB2_1:
0x20: {  	p1 =	sge.u32 s12, s8  }
0x21: {  	s14 =	sxor.u32 @!p1 $0xFFFFFFFF, s12  }
0x22: {  	s14 =	sand.u32 @!p1 $0x1, s14  }
0x23: {  	s14 =	smul.u32 @!p1 $0x120, s14  }
0x24: {  	s31 =	sadd.s32 $0xFFFFFFFF, s12;
	s15 =	sshrl.u32 @!p1 s11, $0x3  }
0x25: {  	s16 =	sand.u32 @!p1 $0x7, s11;
	s15 =	sadd.s32 @!p1 s5, s15;
	s14 =	sshrl.u32 @!p1 s14, $0x2  }
0x26: {  	[tilespmem:s14], [sflag:$0x2] =	stream.linear.gather @!p1 [hbm4b:s15+s16], $0x48, $0x38;
	[tilespmem:$0x4890] =	vst v63  }
0x27: {  	p1 =	sge.u32 s31, s8  }
.Ltmp2:
0x28: {  	_ = 	snop;
	(pc) =	sbr.rel @p1 .LBB2_7-.Ltmp2, $1  }
0x29: {  	_ =	sdelay $0x3  }
0x2a: {  	s14 =	simm.s32 $0x1  }
0x2b: {  	s14 =	simm.s32 @!p0 $0x0  }
0x2c: {  	s15 =	smul.u32 $0x120, s14  }
0x2d: {  	_ =	swait.ge [sflag:s7], $0x48  }
0x2e: {  	[sflag:s7] =	ssyncset.done $0x0;
	s16 =	sshrl.u32 s15, $0x2  }
0x2f: {  	[sflag:s7] =	ssyncadd.s32 $0xFFFFFFB8;
	s15 =	sadd.s32 $0x0, s16  }
0x30: {  	v0 =	vld.msk [tilespmem:s15+$0x0 ss:$0x1], $0xffff;
	_ =	sdelay $0x4  }
0x31: {  	vm2 =	vgt.s32 v0, $0x0  }
0x32: {  	v0 =	vnsel vm2, $0x0, v0  }
0x33: {  	v0 =	vmin.u32 v0, $0x9CF  }
0x34: {  	v0 =	vshll.u32 v0, $0x4  }
0x35: {  	s14 =	smul.u32 $0x9000, s14  }
0x36: {  	s31 =	sand.u32 $0x1, s12  }
0x37: {  	s17 =	smul.u32 $0x120, s31;
	s14 =	sshrl.u32 s14, $0x2  }
0x38: {  	s19 =	smul.u32 $0x9000, s31;
	s14 =	sor.u32 $0x90, s14  }
0x39: {  	[tilespmem:s14], [sflag:$0x1] =	stream.indirect_vreg.gather [hbm:s4], $0x80, v0, vm0, $0x38;
	[tilespmem:$0x4890] =	vst v63  }
0x3a: {  	s18 =	sshrl.u32 s17, $0x2;
	s20 =	sadd.s32 $0x10, s16;
	s15 =	sadd.s32 $0x400, s14  }
0x3b: {  	[tilespmem:s15], [sflag:$0x1] =	stream.indirect_vreg.gather [hbm:s4], $0x80, v0, vm1, $0x38;
	[tilespmem:$0x4890] =	vst v63  }
0x3c: {  	s17 =	sshrl.u32 s19, $0x2;
	s19 =	smov.u32 s14;
	v0 =	vld.msk [tilespmem:s20+$0x0 ss:$0x1], $0xffff;
	s20 =	simm.s32 $0x80  }
.LBB2_3:
0x3d: {  	p1 =	sne.s32 s20, $0xC0;
	_ =	sdelay $0x4  }
0x3e: {  	vm2 =	vgt.s32 v0, $0x0  }
0x3f: {  	v0 =	vnsel vm2, $0x0, v0  }
0x40: {  	v0 =	vmin.u32 v0, $0x9CF  }
0x41: {  	v0 =	vshll.u32 v0, $0x4;
	_ =	sdelay $0x3  }
.Ltmp3:
0x42: {  	s21 =	sshra.s32 s20, $0x2;
	s19 =	sadd.s32 $0x800, s19;
	(pc) =	sbr.rel @p1 .LBB2_3-.Ltmp3, $4  }
0x43: {  	[tilespmem:s19], [sflag:$0x1] =	stream.indirect_vreg.gather [hbm:s4], $0x80, v0, vm0, $0x38;
	[tilespmem:$0x4890] =	vst v63  }
0x44: {  	s21 =	sadd.s32 s21, s16;
	s22 =	sadd.s32 $0x400, s19  }
0x45: {  	[tilespmem:s22], [sflag:$0x1] =	stream.indirect_vreg.gather [hbm:s4], $0x80, v0, vm1, $0x38;
	[tilespmem:$0x4890] =	vst v63  }
0x46: {  	s20 =	sadd.s32 $0x40, s20;
	v0 =	vld.msk [tilespmem:s21+$0x0 ss:$0x1], $0xffff  }
0x47: {  	_ =	sdelay $0x3  }
0x48: {  	vm2 =	vgt.s32 v0, $0x0  }
0x49: {  	v0 =	vnsel vm2, $0x0, v0  }
0x4a: {  	v0 =	vmin.u32 v0, $0x9CF  }
0x4b: {  	v0 =	vshll.u32 v0, $0x4;
	_ =	sdelay $0x3  }
0x4c: {  	s16 =	sadd.s32 $0x800, s19  }
0x4d: {  	[tilespmem:s16], [sflag:$0x1] =	stream.indirect_vreg.gather [hbm:s4], $0x80, v0, vm0, $0x38;
	[tilespmem:$0x4890] =	vst v63  }
0x4e: {  	s16 =	sadd.s32 $0x400, s16  }
0x4f: {  	[tilespmem:s16], [sflag:$0x1] =	stream.indirect_vreg.gather [hbm:s4], $0x80, v0, vm1, $0x38;
	[tilespmem:$0x4890] =	vst v63  }
0x50: {  	v0 =	vld.msk [tilespmem:s18+$0x40 ss:$0x1], $0xff;
	_ =	sdelay $0x4  }
0x51: {  	vm2 =	vgt.s32 v0, $0x0  }
0x52: {  	v0 =	vnsel vm2, $0x0, v0  }
0x53: {  	v0 =	vmin.u32 v0, $0x9CF  }
0x54: {  	v0 =	vshll.u32 v0, $0x4;
	_ =	sdelay $0x3  }
0x55: {  	s31 =	sadd.s32 $0x2090, s17  }
0x56: {  	[tilespmem:s31], [sflag:$0x1] =	stream.indirect_vreg.gather [hbm:s4], $0x80, v0, vm0, $0x38;
	[tilespmem:$0x4890] =	vst v63  }
0x57: {  	s13 =	sshll.u32 s13, $0x4;
	_ =	swait.ge [sflag:s6], $0x2400  }
0x58: {  	s13 =	sadd.s32 s13, s9;
	[sflag:s6] =	ssyncset.done $0x0  }
0x59: {  	s17 =	sadd.s32 $0x0, s13;
	s16 =	simm.s32 $0x80;
	[sflag:s6] =	ssyncadd.s32 $0xFFFFDC00  }
.LBB2_5:
0x5a: {  	[hbm:s17] =	stream.linear.scatter [tilespmem:s14], [sflag:$0x3], $0x400, $0x38;
	[tilespmem:$0x4890] =	vst v63  }
0x5b: {  	s17 =	smov.u32 s16;
	s14 =	smov.u32 s15;
	p1 =	sne.s32 s16, $0x400  }
.Ltmp4:
0x5c: {  	s16 =	sadd.s32 $0x80, s16;
	(pc) =	sbr.rel @p1 .LBB2_5-.Ltmp4, $2  }
0x5d: {  	_ =	sdelay $0x2  }
0x5e: {  	s15 =	sadd.s32 $0x400, s15;
	s17 =	sadd.s32 s17, s13  }
.Ltmp5:
0x5f: {  	_ = 	snop;
	(pc) =	sbr.rel .LBB2_6-.Ltmp5, $1  }
0x60: {  	_ =	sdelay $0x3  }
.LBB2_8:
0x61: {  	_ =	sfence.sel $0x180000  }
0x62: {  	s2 =	simm.s32 $0x2;
	[bflag:$0x0] =	sbarrier.arrive $0xFFFF  }
0x63: {  	s30 =	simm.s32 $0x3;
	[sflag:s2] =	ssyncpa.u1 $0x1  }
0x64: {  	s31 =	simm.s32 $0x1;
	[sflag:s30] =	ssyncpa.u1 $0x1  }
0x65: {  	[sflag:s31] =	ssyncpa.u1 $0x1  }
0x66: {  	p0 =	sne.s32 s0, $0x0;
	_ =	strace $0x9000004A  }
0x67: {  	s0 =	sadd.s32 @!p0 $0x100000, s1;
	[bflag:$0x2] =	sbarrier.arrive $0xFFFF  }
0x68: {  	[sflag:s0] =	ssyncadd.tile.s32 @!p0 $0x1;
	_ =	shalt  }
.Lfunc_end2:
_tile_overlayer_lowered:
.L_overlay_start_2:
0x69: {  	(tag) =	ssettag $0x2  }
0x6a: {  	s0 =	rddreg [dreg:$0x0];
	s2 =	stileid.u32  }
0x6b: {  	s1 =	rddreg [dreg:$0x1];
	p0 =	sne.s32 s2, $0x0  }
0x6c: {  	s3 =	rddreg [dreg:$0x2];
	[bflag:$0x3] =	sbarrier.arrive $0xFFFF;
	s2 =	simm.s32 @!p0 $0x1C01  }
0x6d: {  	[timem:s3], [sflag:s2] =	dma.local @!p0 [hbm:s0], s1  }
0x6e: {  	s0 =	simm.s32 @!p0 $0x1  }
0x6f: {  	_ =	swait.ge @!p0 [sflag:s0], s1  }
0x70: {  	s1 =	ssub.s32 @!p0 $0x0, s1;
	[sflag:s0] =	ssyncset.done @!p0 $0x0  }
0x71: {  	[sflag:s0] =	ssyncadd.s32 @!p0 s1  }
0x72: {  	[bflag:$0x3] =	sbarrier.arrive $0xFFFF  }
0x73: {  	_ =	shalt  }

// kernel: kernel.12.cloned.1.call-start
scs
__scs_entry_jumppad:
0x0: {  	(pc) =	sbr.rel $0x88, $3  }
0x1: {  	(tag) =	ssettag $0x0;
	lr =	simm.s32 $0x1  }
0x2: {  	[smem:$0x3F91] =	sst lr;
	_ =	strace $0xD0000000  }
0x3: {  	_ = 	snop  }
0x4: {  	_ = 	snop  }
0x5: {  	_ = 	snop  }
0x6: {  	_ = 	snop  }
0x7: {  	_ = 	snop  }
__scs_overlays_trampoline_lowered:
0x8: {  	[smem:$0x3FA0] =	sst s0  }
0x9: {  	[smem:$0x3FA1] =	sst s1  }
0xa: {  	[smem:$0x3FA2] =	sst s2  }
0xb: {  	[smem:$0x3FA3] =	sst s3  }
0xc: {  	[smem:$0x3FA4] =	sst s4  }
0xd: {  	[smem:$0x3FA5] =	sst s5  }
0xe: {  	[smem:$0x3FA6] =	sst s6  }
0xf: {  	[smem:$0x3FA7] =	sst s7  }
0x10: {  	[smem:$0x3FA8] =	sst s8  }
0x11: {  	[smem:$0x3FA9] =	sst s9;
	s0 =	simm.s32 @!p0 $0x0  }
0x12: {  	s1 =	sld [smem:$0x3F8F];
	s0 =	simm.s32 @p0 $0x1  }
0x13: {  	[smem:$0x3FAA] =	sst s0;
	s0 =	simm.s32 @!p1 $0x0  }
0x14: {  	s2 =	sld [smem:$0x3F8E];
	s0 =	simm.s32 @p1 $0x1  }
0x15: {  	[smem:$0x3FAB] =	sst s0;
	s0 =	simm.s32 @!p2 $0x0  }
0x16: {  	s3 =	sld [smem:$0x3FDB];
	s0 =	simm.s32 @p2 $0x1  }
0x17: {  	s4 =	simm.s32 $0x1BF5;
	[smem:$0x3FAD] =	sst s0  }
0x18: {  	s0 =	sld [smem:$0x3F90];
	_ =	swait.ge [sflag:s4], $0x0  }
0x19: {  	s7 =	sld [smem:$0x3F91]  }
0x1a: {  	s8 =	sadd.s32 $0xFFFFE003, lr  }
0x1b: {  	s9 =	sadd.s32 $0xFFFFFEF7, lr;
	s5 =	simm.s32 $0xFFFFFFFF;
	p2 =	slt.u32 s8, $0xFFFFF086  }
0x1c: {  	p1 =	slt.u32 s9, $0xF7A;
	s5 =	simm.s32 @!p2 $0x0  }
0x1d: {  	s5 =	simm.s32 @p1 $0x1;
	p0 =	seq.s32 s7, s2  }
0x1e: {  	s7 =	smul.u32 @!p0 $0xF7A, s2;
	p2 =	seq.s32 @!p0 s5, $0x0  }
0x1f: {  	s9 =	smul.u32 $0xF7A, s1;
	s8 =	simm.s32 @!p0 $0x1BF5;
	p2 =	por !p2, p0  }
0x20: {  	[sflag:s8] =	ssyncset.s32 @!p0 $0xFFFFF086;
	s6 =	sadd.s32 @!p0 s3, s7;
	s7 =	simm.s32 @!p0 $0x108  }
0x21: {  	s3 =	sadd.s32 s3, s9;
	s6 =	sadd.s32 @!p0 $0x88, s6;
	s7 =	simm.s32 @p2 $0x1082  }
0x22: {  	[simem:s7], [sflag:s8] =	dma.local @!p0 [hbm:s6], $0xF7A  }
0x23: {  	s9 =	sor.u32 $0xD0000000, s2;
	s6 =	simm.s32 $0x108;
	_ =	swait.ge @!p0 [sflag:s8], $0x0  }
0x24: {  	s3 =	sadd.s32 $0x88, s3;
	s6 =	simm.s32 @!p1 $0x1082;
	[sflag:s4] =	ssyncset.s32 $0xFFFFF086  }
0x25: {  	[simem:s6], [sflag:s4] =	dma.local [hbm:s3], $0xF7A  }
0x26: {  	[smem:$0x3F91] =	sst s1;
	(tag) =	ssettag s2;
	_ =	strace s9  }
0x27: {  	s1 =	sld [smem:$0x3FA1]  }
0x28: {  	s2 =	sld [smem:$0x3FA2]  }
0x29: {  	s4 =	sld [smem:$0x3FA4]  }
0x2a: {  	p0 =	seq.s32 s5, $0x0;
	s5 =	sld [smem:$0x3FA5]  }
0x2b: {  	s6 =	sld [smem:$0x3FA6]  }
0x2c: {  	s7 =	sld [smem:$0x3FA7]  }
0x2d: {  	s3 =	simm.s32 $0x108;
	s8 =	sld [smem:$0x3FA8]  }
0x2e: {  	s3 =	simm.s32 @!p0 $0x1082;
	s9 =	sld [smem:$0x3FA9]  }
0x2f: {  	lr =	sadd.s32 s0, s3;
	s0 =	sld [smem:$0x3FA0]  }
0x30: {  	s3 =	sld [smem:$0x3FA3]  }
0x31: {  	[smem:$0x3FAC] =	sst s10  }
0x32: {  	s10 =	sld [smem:$0x3FAA];
	_ =	sdelay $0x3  }
0x33: {  	p0 =	seq.s32 s10, $0x1;
	s10 =	sld [smem:$0x3FAC];
	_ =	sdelay $0x3  }
0x34: {  	[smem:$0x3FAC] =	sst s10  }
0x35: {  	s10 =	sld [smem:$0x3FAB];
	_ =	sdelay $0x3  }
0x36: {  	p1 =	seq.s32 s10, $0x1;
	s10 =	sld [smem:$0x3FAC];
	_ =	sdelay $0x3  }
0x37: {  	[smem:$0x3FAC] =	sst s10  }
0x38: {  	s10 =	sld [smem:$0x3FAD]  }
0x39: {  	_ = 	snop;
	(pc) =	sbr.ind lr, $3  }
0x3a: {  	_ = 	snop  }
0x3b: {  	_ = 	snop  }
0x3c: {  	p2 =	seq.s32 s10, $0x1;
	s10 =	sld [smem:$0x3FAC]  }
0x3d: {  	_ =	shalt  }
0x3e: {  	_ =	shalt  }
0x3f: {  	_ =	shalt  }
0x40: {  	_ =	shalt  }
0x41: {  	_ =	shalt  }
0x42: {  	_ =	shalt  }
0x43: {  	_ =	shalt  }
0x44: {  	_ =	shalt  }
0x45: {  	_ =	shalt  }
0x46: {  	_ =	shalt  }
0x47: {  	_ =	shalt  }
0x48: {  	_ =	shalt  }
0x49: {  	_ =	shalt  }
0x4a: {  	_ =	shalt  }
0x4b: {  	_ =	shalt  }
0x4c: {  	_ =	shalt  }
0x4d: {  	_ =	shalt  }
0x4e: {  	_ =	shalt  }
0x4f: {  	_ =	shalt  }
0x50: {  	_ =	shalt  }
0x51: {  	_ =	shalt  }
0x52: {  	_ =	shalt  }
0x53: {  	_ =	shalt  }
0x54: {  	_ =	shalt  }
0x55: {  	_ =	shalt  }
0x56: {  	_ =	shalt  }
0x57: {  	_ =	shalt  }
0x58: {  	_ =	shalt  }
0x59: {  	_ =	shalt  }
0x5a: {  	_ =	shalt  }
0x5b: {  	_ =	shalt  }
0x5c: {  	_ =	shalt  }
0x5d: {  	_ =	shalt  }
0x5e: {  	_ =	shalt  }
0x5f: {  	_ =	shalt  }
0x60: {  	_ =	shalt  }
0x61: {  	_ =	shalt  }
0x62: {  	_ =	shalt  }
0x63: {  	_ =	shalt  }
0x64: {  	_ =	shalt  }
0x65: {  	_ =	shalt  }
0x66: {  	_ =	shalt  }
0x67: {  	_ =	shalt  }
0x68: {  	_ =	shalt  }
0x69: {  	_ =	shalt  }
0x6a: {  	_ =	shalt  }
0x6b: {  	_ =	shalt  }
0x6c: {  	_ =	shalt  }
0x6d: {  	_ =	shalt  }
0x6e: {  	_ =	shalt  }
0x6f: {  	_ =	shalt  }
0x70: {  	_ =	shalt  }
0x71: {  	_ =	shalt  }
0x72: {  	_ =	shalt  }
0x73: {  	_ =	shalt  }
0x74: {  	_ =	shalt  }
0x75: {  	_ =	shalt  }
0x76: {  	_ =	shalt  }
0x77: {  	_ =	shalt  }
0x78: {  	_ =	shalt  }
0x79: {  	_ =	shalt  }
0x7a: {  	_ =	shalt  }
0x7b: {  	_ =	shalt  }
0x7c: {  	_ =	shalt  }
0x7d: {  	_ =	shalt  }
0x7e: {  	_ =	shalt  }
0x7f: {  	_ =	shalt  }
0x80: {  	_ =	shalt  }
0x81: {  	_ =	shalt  }
0x82: {  	_ =	shalt  }
0x83: {  	_ =	shalt  }
0x84: {  	_ =	shalt  }
0x85: {  	_ =	shalt  }
0x86: {  	_ =	shalt  }
0x87: {  	_ =	shalt  }
.Lfunc_end0:
.L_simem_size_0:
called_computation.3_lowered:
.L_overlay_start_0:
0x88: {  	s2 =	sld [smem:$0x3FD9]  }
0x89: {  	s3 =	sld [smem:$0x3FFE];
	_ =	sdelay $0x1  }
0x8a: {  	s1 =	srdreg.scid  }
0x8b: {  	s0 =	sand.u32 $0x1, s1  }
0x8c: {  	s16 =	sshll.u32 s0, $0xA;
	s2 =	sadd.s32 s3, s2  }
0x8d: {  	s2 =	sadd.s32 s2, s16  }
0x8e: {  	[smem:$0x3FB8] =	sst s2  }
0x8f: {  	_ = 	snop  }
0x90: {  	(tm) =	ssettm $0x1  }
0x91: {  	s17 =	sld [smem:$0x3FFB];
	_ =	sdelay $0x3  }
0x92: {  	_ =	strace s17  }
0x93: {  	s2 =	sld [smem:$0x3FFC];
	_ =	sdelay $0x3  }
0x94: {  	_ =	strace s2  }
0x95: {  	s2 =	sld [smem:$0x3FFD];
	_ =	sdelay $0x3  }
0x96: {  	_ =	strace s2  }
0x97: {  	_ =	strace $0x8FFFFFFF  }
0x98: {  	s18 =	sld [smem:$0x3FDB];
	_ =	sdelay $0x1  }
0x99: {  	s19 =	simm.s32 $_scs_section_size  }
0x9a: {  	s4 =	simm.s32 $_size__tile_overlayer_lowered;
	s5 =	simm.s32 $_tile_overlayer_lowered  }
0x9b: {  	s22 =	simm.s32 $0x1BFF;
	s21 =	sshll.u32 s5, $0x1;
	s2 =	sadd.s32 s19, s18  }
0x9c: {  	s6 =	simm.s32 $0x0;
	s20 =	sshll.u32 s4, $0x1;
	s4 =	sadd.s32 s21, s2  }
0x9d: {  	[timem:s6], [sflag:s22] =	dma.local [hbm:s4], s20  }
0x9e: {  	_ =	swait.ge [sflag:s22], s20  }
0x9f: {  	s3 =	ssub.s32 $0x0, s20;
	[sflag:s22] =	ssyncset.done $0x0  }
0xa0: {  	[sflag:s22] =	ssyncadd.s32 s3;
	_ =	sdelay $0x1  }
0xa1: {  	s23 =	simm.s32 $0x1B8B  }
0xa2: {  	_ =	swait.ge [sflag:s23], $0x1  }
0xa3: {  	[sflag:s23] =	ssyncset.done $0x0  }
0xa4: {  	s25 =	simm.s32 $0x1B8E;
	s24 =	sld [smem:$0x3FFE];
	[sflag:s23] =	ssyncadd.s32 $0xFFFFFFFF  }
0xa5: {  	s26 =	simm.s32 $execute0_lowered;
	[smem:$0x3FD2] =	sst s25  }
0xa6: {  	s4 =	sshll.u32 s26, $0x1;
	_ =	strace $0x8000004F;
	[dreg:$0x1] =	wrdreg $0xFFFFFFFF  }
0xa7: {  	s28 =	simm.s32 $_size_execute0_lowered;
	s2 =	sadd.s32 s2, s4;
	[dreg:$0x0] =	wrdreg $0x0  }
0xa8: {  	s4 =	sshll.u32 s28, $0x1;
	[dreg:$0x2] =	wrdreg s2  }
0xa9: {  	[dreg:$0x3] =	wrdreg s4  }
0xaa: {  	[dreg:$0x4] =	wrdreg $0xC0  }
0xab: {  	_ =	task [dreg:s6], $0x5FFFF  }
0xac: {  	[dreg:$0x1] =	wrdreg $0xFFFFFFFF  }
0xad: {  	[dreg:$0x0] =	wrdreg $0x60  }
0xae: {  	[dreg:$0x2] =	wrdreg s24  }
0xaf: {  	[dreg:$0x3] =	wrdreg $0x7A000  }
0xb0: {  	[dreg:$0x4] =	wrdreg $0x9  }
0xb1: {  	_ =	task.clear_ibuf [dreg:s6], $0x5FFFF;
	_ =	strace $0x9000004F  }
0xb2: {  	s29 =	simm.s32 $0x9;
	_ =	strace $0x80000051  }
0xb3: {  	_ =	swait.ge [sflag:s29], $0x1  }
0xb4: {  	[sflag:s29] =	ssyncadd.s32 $0xFFFFFFFF  }
0xb5: {  	_ =	strace $0x90000051  }
0xb6: {  	_ =	sfence  }
0xb7: {  	s30 =	sld [smem:$0x0];
	_ =	sdelay $0x2  }
0xb8: {  	s31 =	sshll.u32 s1, $0xD;
	s1 =	sshrl.u32 s1, $0x2  }
0xb9: {  	s3 =	sand.u32 $0x4000, s31;
	s1 =	sadd.s32 s1, s30  }
0xba: {  	s0 =	sor.u32 s3, s0;
	s1 =	sshll.u32 s1, $0x11  }
0xbb: {  	s0 =	sor.u32 s1, s0  }
0xbc: {  	s0 =	sadd.s32 $0x8F2B, s0  }
0xbd: {  	[sflag:s0] =	ssyncadd.remote.s32 $0x1  }
0xbe: {  	_ =	sfence.sel $0xFFFF  }
0xbf: {  	[dreg:$0x0] =	wrdreg $0xFFFFFFFF;
	(pc) =	sbr.abs _section_cstart, $3  }
0xc0: {  	[dreg:$0x1] =	wrdreg $0xFFFFFFFF  }
0xc1: {  	_ =	task.clear_ibuf [dreg:s6], $0x2FFFF;
	_ =	strace $0x9FFFFFFF  }
0xc2: {  	(tm) =	ssettm $0x7FFFFFFF  }
0xc3: {  	_ =	shalt  }
tec
execute0_lowered:
.L_overlay_start_1:
0x0: {  	(tag) =	ssettag $0x1  }
0x1: {  	s6 =	rddreg [dreg:$0x0]  }
0x2: {  	s2 =	rddreg [dreg:$0x1]  }
0x3: {  	s0 =	rddreg [dreg:$0x2]  }
0x4: {  	s3 =	srdreg.scid;
	s1 =	stileid.u32;
	s14 =	simm.s32 $0x80  }
0x5: {  	s15 =	simm.s32 $0x5A00;
	s16 =	simm.s32 $0x1;
	s17 =	simm.s32 $0x0  }
0x6: {  	s7 =	sand.u32 $0x1, s3;
	s4 =	sshll.u32 s1, $0x1;
	s9 =	smul.u32 $0x9E00, s1  }
0x7: {  	s3 =	simm.s32 $0x0;
	s31 =	sshll.u32 s1, $0x6;
	s4 =	sor.u32 s7, s4  }
0x8: {  	s5 =	smul.u32 $0x9E000, s7;
	[smem:$0x7FF] =	sst s3;
	s11 =	ssub.s32 $0x2, s7  }
0x9: {  	p0 =	seq.s32 s7, $0x0;
	s8 =	smul.u32 $0x5A0, s4;
	_ =	strace $0x80000050  }
0xa: {  	s4 =	sadd.s32 $0x2E400, s6;
	s12 =	sshrl.u32 s11, $0x1;
	s13 =	sadd.s32 s9, s2  }
0xb: {  	s5 =	sadd.s32 s9, s5;
	s11 =	ssub.s32 s11, s12;
	s12 =	sor.u32 $0x1C02, s31  }
0xc: {  	s13 =	sshrl.u32 s13, $0x3;
	s8 =	sadd.s32 s8, s6;
	s10 =	sshrl.u32 s5, $0x3  }
0xd: {  	s5 =	sadd.s32 $0x3E00, s6;
	s10 =	sadd.s32 s10, s6;
	s6 =	simm.s32 $0x5A  }
0xe: {  	s7 =	sadd.s32 $0x23000, s8;
	s8 =	sadd.s32 $0x17C00, s8;
	s6 =	simm.s32 @!p0 $0x43  }
0xf: {  	s9 =	sadd.s32 $0x41E00, s10;
	s10 =	smax.u32 s11, $0x1;
	s11 =	simm.s32 $0x2  }
.LBB2_1:
0x10: {  	[tilespmem:s3], [sflag:$0x2] =	stream.linear.gather [hbm4b:s7+s3], $0x2D00, $0x38;
	[tilespmem:$0x11800] =	vst v63  }
0x11: {  	_ =	swait.ge [sflag:s11], $0x2D00  }
0x12: {  	[sflag:s11] =	ssyncset.done $0x0  }
0x13: {  	s18 =	simm.s32 $0x2D00;
	[sflag:s11] =	ssyncadd.s32 $0xFFFFD300  }
0x14: {  	[tilespmem:s18], [sflag:$0x2] =	stream.linear.gather [hbm4b:s8+s3], $0x2D00, $0x38;
	[tilespmem:$0x11800] =	vst v63  }
0x15: {  	_ =	swait.ge [sflag:s11], $0x2D00  }
0x16: {  	[sflag:s11] =	ssyncset.done $0x0  }
0x17: {  	[sflag:s11] =	ssyncadd.s32 $0xFFFFD300  }
0x18: {  	[spmem:s13], [sflag:s12] =	dma.local [hbm:s5], $0x13C0  }
0x19: {  	_ =	swait.ge [sflag:s11], $0x13C0  }
0x1a: {  	[sflag:s11] =	ssyncset.done $0x0  }
0x1b: {  	[sflag:s11] =	ssyncadd.s32 $0xFFFFEC40  }
0x1c: {  	[bflag:$0x0] =	sbarrier.arrive $0xFFFF  }
0x1d: {  	[tilespmem:s15], [sflag:$0x1] =	stream.indirect.gather [hbm4b:s4+s14], $0x40, s3, s14, $0xb8;
	[tilespmem:$0x11800] =	vst v63  }
0x1e: {  	p0 =	sne.s32 s6, $0x1;
	_ =	swait.ge [sflag:s16], $0x2000  }
.Ltmp0:
0x1f: {  	[sflag:s16] =	ssyncset.done $0x0;
	(pc) =	sbr.rel @!p0 .LBB2_3-.Ltmp0, $4  }
0x20: {  	[sflag:s16] =	ssyncadd.s32 $0xFFFFE000  }
0x21: {  	[spmem:s2] =	stream.indirect.scatter.add.f32 [tilespmem:s15], [sflag:$0x2], $0x40, s18, s14, $0xb8;
	[tilespmem:$0x11800] =	vst v63  }
0x22: {  	_ =	swait.ge [sflag:s11], $0x2000  }
0x23: {  	s19 =	sadd.s32 $0xFFFFFFFF, s6;
	s20 =	simm.s32 $0x0;
	[sflag:s11] =	ssyncset.done $0x0  }
.LBB2_2:
0x24: {  	[sflag:s11] =	ssyncadd.s32 $0xFFFFE000;
	s20 =	sadd.s32 $0x80, s20;
	s18 =	sadd.s32 $0x80, s18  }
0x25: {  	[tilespmem:s15], [sflag:$0x1] =	stream.indirect.gather [hbm4b:s4+s14], $0x40, s20, s14, $0xb8;
	[tilespmem:$0x11800] =	vst v63  }
0x26: {  	p0 =	sne.s32 s19, $0x1;
	s19 =	sadd.s32 $0xFFFFFFFF, s19;
	_ =	swait.ge [sflag:s16], $0x2000  }
.Ltmp1:
0x27: {  	[sflag:s16] =	ssyncset.done $0x0;
	(pc) =	sbr.rel @p0 .LBB2_2-.Ltmp1, $4  }
0x28: {  	[sflag:s16] =	ssyncadd.s32 $0xFFFFE000  }
0x29: {  	[spmem:s2] =	stream.indirect.scatter.add.f32 [tilespmem:s15], [sflag:$0x2], $0x40, s18, s14, $0xb8;
	[tilespmem:$0x11800] =	vst v63  }
0x2a: {  	_ =	swait.ge [sflag:s11], $0x2000  }
0x2b: {  	[sflag:s11] =	ssyncset.done $0x0  }
.LBB2_3:
0x2c: {  	s17 =	sadd.s32 $0x1, s17  }
0x2d: {  	[sflag:s11] =	ssyncadd.s32 $0xFFFFE000;
	p0 =	sne.s32 s17, s10  }
.Ltmp2:
0x2e: {  	[bflag:$0x0] =	sbarrier.arrive $0xFFFF;
	(pc) =	sbr.rel @p0 .LBB2_1-.Ltmp2, $4  }
0x2f: {  	[hbm:s9], [sflag:s12] =	dma.local [spmem:s13], $0x13C0  }
0x30: {  	_ =	swait.ge [sflag:s11], $0x13C0  }
0x31: {  	[sflag:s11] =	ssyncset.done $0x0  }
0x32: {  	[sflag:s11] =	ssyncadd.s32 $0xFFFFEC40  }
0x33: {  	_ =	sfence.sel $0x180000  }
0x34: {  	[bflag:$0x0] =	sbarrier.arrive $0xFFFF  }
0x35: {  	p0 =	sne.s32 s1, $0x0;
	_ =	strace $0x90000050  }
0x36: {  	s0 =	sadd.s32 @!p0 $0x100000, s0;
	[bflag:$0x2] =	sbarrier.arrive $0xFFFF  }
0x37: {  	[sflag:s0] =	ssyncadd.tile.s32 @!p0 $0x1;
	_ =	shalt  }
.Lfunc_end2:
_tile_overlayer_lowered:
.L_overlay_start_2:
0x38: {  	(tag) =	ssettag $0x2  }
0x39: {  	s0 =	rddreg [dreg:$0x0];
	s2 =	stileid.u32  }
0x3a: {  	s1 =	rddreg [dreg:$0x1];
	p0 =	sne.s32 s2, $0x0  }
0x3b: {  	s3 =	rddreg [dreg:$0x2];
	[bflag:$0x3] =	sbarrier.arrive $0xFFFF;
	s2 =	simm.s32 @!p0 $0x1C02  }
0x3c: {  	[timem:s3], [sflag:s2] =	dma.local @!p0 [hbm:s0], s1  }
0x3d: {  	s0 =	simm.s32 @!p0 $0x2  }
0x3e: {  	_ =	swait.ge @!p0 [sflag:s0], s1  }
0x3f: {  	s1 =	ssub.s32 @!p0 $0x0, s1;
	[sflag:s0] =	ssyncset.done @!p0 $0x0  }
0x40: {  	[sflag:s0] =	ssyncadd.s32 @!p0 s1  }
0x41: {  	[bflag:$0x3] =	sbarrier.arrive $0xFFFF  }
0x42: {  	_ =	shalt  }

// kernel: kernel.15.cloned.1.call-start
scs
__scs_entry_jumppad:
0x0: {  	(pc) =	sbr.rel $0x88, $3  }
0x1: {  	(tag) =	ssettag $0x0;
	lr =	simm.s32 $0x1  }
0x2: {  	[smem:$0x3F91] =	sst lr;
	_ =	strace $0xD0000000  }
0x3: {  	_ = 	snop  }
0x4: {  	_ = 	snop  }
0x5: {  	_ = 	snop  }
0x6: {  	_ = 	snop  }
0x7: {  	_ = 	snop  }
__scs_overlays_trampoline_lowered:
0x8: {  	[smem:$0x3FA0] =	sst s0  }
0x9: {  	[smem:$0x3FA1] =	sst s1  }
0xa: {  	[smem:$0x3FA2] =	sst s2  }
0xb: {  	[smem:$0x3FA3] =	sst s3  }
0xc: {  	[smem:$0x3FA4] =	sst s4  }
0xd: {  	[smem:$0x3FA5] =	sst s5  }
0xe: {  	[smem:$0x3FA6] =	sst s6  }
0xf: {  	[smem:$0x3FA7] =	sst s7  }
0x10: {  	[smem:$0x3FA8] =	sst s8  }
0x11: {  	[smem:$0x3FA9] =	sst s9;
	s0 =	simm.s32 @!p0 $0x0  }
0x12: {  	s1 =	sld [smem:$0x3F8F];
	s0 =	simm.s32 @p0 $0x1  }
0x13: {  	[smem:$0x3FAA] =	sst s0;
	s0 =	simm.s32 @!p1 $0x0  }
0x14: {  	s2 =	sld [smem:$0x3F8E];
	s0 =	simm.s32 @p1 $0x1  }
0x15: {  	[smem:$0x3FAB] =	sst s0;
	s0 =	simm.s32 @!p2 $0x0  }
0x16: {  	s3 =	sld [smem:$0x3FDB];
	s0 =	simm.s32 @p2 $0x1  }
0x17: {  	s4 =	simm.s32 $0x1BF5;
	[smem:$0x3FAD] =	sst s0  }
0x18: {  	s0 =	sld [smem:$0x3F90];
	_ =	swait.ge [sflag:s4], $0x0  }
0x19: {  	s7 =	sld [smem:$0x3F91]  }
0x1a: {  	s8 =	sadd.s32 $0xFFFFE003, lr  }
0x1b: {  	s9 =	sadd.s32 $0xFFFFFEF7, lr;
	s5 =	simm.s32 $0xFFFFFFFF;
	p2 =	slt.u32 s8, $0xFFFFF086  }
0x1c: {  	p1 =	slt.u32 s9, $0xF7A;
	s5 =	simm.s32 @!p2 $0x0  }
0x1d: {  	s5 =	simm.s32 @p1 $0x1;
	p0 =	seq.s32 s7, s2  }
0x1e: {  	s7 =	smul.u32 @!p0 $0xF7A, s2;
	p2 =	seq.s32 @!p0 s5, $0x0  }
0x1f: {  	s9 =	smul.u32 $0xF7A, s1;
	s8 =	simm.s32 @!p0 $0x1BF5;
	p2 =	por !p2, p0  }
0x20: {  	[sflag:s8] =	ssyncset.s32 @!p0 $0xFFFFF086;
	s6 =	sadd.s32 @!p0 s3, s7;
	s7 =	simm.s32 @!p0 $0x108  }
0x21: {  	s3 =	sadd.s32 s3, s9;
	s6 =	sadd.s32 @!p0 $0x88, s6;
	s7 =	simm.s32 @p2 $0x1082  }
0x22: {  	[simem:s7], [sflag:s8] =	dma.local @!p0 [hbm:s6], $0xF7A  }
0x23: {  	s9 =	sor.u32 $0xD0000000, s2;
	s6 =	simm.s32 $0x108;
	_ =	swait.ge @!p0 [sflag:s8], $0x0  }
0x24: {  	s3 =	sadd.s32 $0x88, s3;
	s6 =	simm.s32 @!p1 $0x1082;
	[sflag:s4] =	ssyncset.s32 $0xFFFFF086  }
0x25: {  	[simem:s6], [sflag:s4] =	dma.local [hbm:s3], $0xF7A  }
0x26: {  	[smem:$0x3F91] =	sst s1;
	(tag) =	ssettag s2;
	_ =	strace s9  }
0x27: {  	s1 =	sld [smem:$0x3FA1]  }
0x28: {  	s2 =	sld [smem:$0x3FA2]  }
0x29: {  	s4 =	sld [smem:$0x3FA4]  }
0x2a: {  	p0 =	seq.s32 s5, $0x0;
	s5 =	sld [smem:$0x3FA5]  }
0x2b: {  	s6 =	sld [smem:$0x3FA6]  }
0x2c: {  	s7 =	sld [smem:$0x3FA7]  }
0x2d: {  	s3 =	simm.s32 $0x108;
	s8 =	sld [smem:$0x3FA8]  }
0x2e: {  	s3 =	simm.s32 @!p0 $0x1082;
	s9 =	sld [smem:$0x3FA9]  }
0x2f: {  	lr =	sadd.s32 s0, s3;
	s0 =	sld [smem:$0x3FA0]  }
0x30: {  	s3 =	sld [smem:$0x3FA3]  }
0x31: {  	[smem:$0x3FAC] =	sst s10  }
0x32: {  	s10 =	sld [smem:$0x3FAA];
	_ =	sdelay $0x3  }
0x33: {  	p0 =	seq.s32 s10, $0x1;
	s10 =	sld [smem:$0x3FAC];
	_ =	sdelay $0x3  }
0x34: {  	[smem:$0x3FAC] =	sst s10  }
0x35: {  	s10 =	sld [smem:$0x3FAB];
	_ =	sdelay $0x3  }
0x36: {  	p1 =	seq.s32 s10, $0x1;
	s10 =	sld [smem:$0x3FAC];
	_ =	sdelay $0x3  }
0x37: {  	[smem:$0x3FAC] =	sst s10  }
0x38: {  	s10 =	sld [smem:$0x3FAD]  }
0x39: {  	_ = 	snop;
	(pc) =	sbr.ind lr, $3  }
0x3a: {  	_ = 	snop  }
0x3b: {  	_ = 	snop  }
0x3c: {  	p2 =	seq.s32 s10, $0x1;
	s10 =	sld [smem:$0x3FAC]  }
0x3d: {  	_ =	shalt  }
0x3e: {  	_ =	shalt  }
0x3f: {  	_ =	shalt  }
0x40: {  	_ =	shalt  }
0x41: {  	_ =	shalt  }
0x42: {  	_ =	shalt  }
0x43: {  	_ =	shalt  }
0x44: {  	_ =	shalt  }
0x45: {  	_ =	shalt  }
0x46: {  	_ =	shalt  }
0x47: {  	_ =	shalt  }
0x48: {  	_ =	shalt  }
0x49: {  	_ =	shalt  }
0x4a: {  	_ =	shalt  }
0x4b: {  	_ =	shalt  }
0x4c: {  	_ =	shalt  }
0x4d: {  	_ =	shalt  }
0x4e: {  	_ =	shalt  }
0x4f: {  	_ =	shalt  }
0x50: {  	_ =	shalt  }
0x51: {  	_ =	shalt  }
0x52: {  	_ =	shalt  }
0x53: {  	_ =	shalt  }
0x54: {  	_ =	shalt  }
0x55: {  	_ =	shalt  }
0x56: {  	_ =	shalt  }
0x57: {  	_ =	shalt  }
0x58: {  	_ =	shalt  }
0x59: {  	_ =	shalt  }
0x5a: {  	_ =	shalt  }
0x5b: {  	_ =	shalt  }
0x5c: {  	_ =	shalt  }
0x5d: {  	_ =	shalt  }
0x5e: {  	_ =	shalt  }
0x5f: {  	_ =	shalt  }
0x60: {  	_ =	shalt  }
0x61: {  	_ =	shalt  }
0x62: {  	_ =	shalt  }
0x63: {  	_ =	shalt  }
0x64: {  	_ =	shalt  }
0x65: {  	_ =	shalt  }
0x66: {  	_ =	shalt  }
0x67: {  	_ =	shalt  }
0x68: {  	_ =	shalt  }
0x69: {  	_ =	shalt  }
0x6a: {  	_ =	shalt  }
0x6b: {  	_ =	shalt  }
0x6c: {  	_ =	shalt  }
0x6d: {  	_ =	shalt  }
0x6e: {  	_ =	shalt  }
0x6f: {  	_ =	shalt  }
0x70: {  	_ =	shalt  }
0x71: {  	_ =	shalt  }
0x72: {  	_ =	shalt  }
0x73: {  	_ =	shalt  }
0x74: {  	_ =	shalt  }
0x75: {  	_ =	shalt  }
0x76: {  	_ =	shalt  }
0x77: {  	_ =	shalt  }
0x78: {  	_ =	shalt  }
0x79: {  	_ =	shalt  }
0x7a: {  	_ =	shalt  }
0x7b: {  	_ =	shalt  }
0x7c: {  	_ =	shalt  }
0x7d: {  	_ =	shalt  }
0x7e: {  	_ =	shalt  }
0x7f: {  	_ =	shalt  }
0x80: {  	_ =	shalt  }
0x81: {  	_ =	shalt  }
0x82: {  	_ =	shalt  }
0x83: {  	_ =	shalt  }
0x84: {  	_ =	shalt  }
0x85: {  	_ =	shalt  }
0x86: {  	_ =	shalt  }
0x87: {  	_ =	shalt  }
.Lfunc_end0:
.L_simem_size_0:
called_computation.4_lowered:
.L_overlay_start_0:
0x88: {  	s2 =	sld [smem:$0x3FD9]  }
0x89: {  	s3 =	sld [smem:$0x3FFE];
	_ =	sdelay $0x1  }
0x8a: {  	s1 =	srdreg.scid  }
0x8b: {  	s0 =	sand.u32 $0x1, s1  }
0x8c: {  	s16 =	sshll.u32 s0, $0xA;
	s2 =	sadd.s32 s3, s2  }
0x8d: {  	s2 =	sadd.s32 s2, s16  }
0x8e: {  	[smem:$0x3FB8] =	sst s2  }
0x8f: {  	_ = 	snop  }
0x90: {  	(tm) =	ssettm $0x1  }
0x91: {  	s17 =	sld [smem:$0x3FFB];
	_ =	sdelay $0x3  }
0x92: {  	_ =	strace s17  }
0x93: {  	s2 =	sld [smem:$0x3FFC];
	_ =	sdelay $0x3  }
0x94: {  	_ =	strace s2  }
0x95: {  	s2 =	sld [smem:$0x3FFD];
	_ =	sdelay $0x3  }
0x96: {  	_ =	strace s2  }
0x97: {  	_ =	strace $0x8FFFFFFF  }
0x98: {  	s18 =	sld [smem:$0x3FDB];
	_ =	sdelay $0x1  }
0x99: {  	s19 =	simm.s32 $_scs_section_size  }
0x9a: {  	s4 =	simm.s32 $_size__tile_overlayer_lowered;
	s5 =	simm.s32 $_tile_overlayer_lowered  }
0x9b: {  	s22 =	simm.s32 $0x1BFF;
	s21 =	sshll.u32 s5, $0x1;
	s2 =	sadd.s32 s19, s18  }
0x9c: {  	s6 =	simm.s32 $0x0;
	s20 =	sshll.u32 s4, $0x1;
	s4 =	sadd.s32 s21, s2  }
0x9d: {  	[timem:s6], [sflag:s22] =	dma.local [hbm:s4], s20  }
0x9e: {  	_ =	swait.ge [sflag:s22], s20  }
0x9f: {  	s3 =	ssub.s32 $0x0, s20;
	[sflag:s22] =	ssyncset.done $0x0  }
0xa0: {  	[sflag:s22] =	ssyncadd.s32 s3;
	_ =	sdelay $0x1  }
0xa1: {  	s23 =	simm.s32 $0x1B8B  }
0xa2: {  	_ =	swait.ge [sflag:s23], $0x1  }
0xa3: {  	[sflag:s23] =	ssyncset.done $0x0  }
0xa4: {  	s25 =	simm.s32 $0x1B8E;
	s24 =	sld [smem:$0x3FFE];
	[sflag:s23] =	ssyncadd.s32 $0xFFFFFFFF  }
0xa5: {  	s26 =	simm.s32 $execute0_lowered;
	[smem:$0x3FD2] =	sst s25  }
0xa6: {  	s4 =	sshll.u32 s26, $0x1;
	_ =	strace $0x80000052;
	[dreg:$0x1] =	wrdreg $0xFFFFFFFF  }
0xa7: {  	s28 =	simm.s32 $_size_execute0_lowered;
	s2 =	sadd.s32 s2, s4;
	[dreg:$0x0] =	wrdreg $0x0  }
0xa8: {  	s4 =	sshll.u32 s28, $0x1;
	[dreg:$0x2] =	wrdreg s2  }
0xa9: {  	[dreg:$0x3] =	wrdreg s4  }
0xaa: {  	[dreg:$0x4] =	wrdreg $0xC0  }
0xab: {  	_ =	task [dreg:s6], $0x5FFFF  }
0xac: {  	[dreg:$0x1] =	wrdreg $0xFFFFFFFF  }
0xad: {  	[dreg:$0x0] =	wrdreg $0x60  }
0xae: {  	[dreg:$0x2] =	wrdreg s24  }
0xaf: {  	[dreg:$0x3] =	wrdreg $0x9A000  }
0xb0: {  	[dreg:$0x4] =	wrdreg $0x9  }
0xb1: {  	_ =	task.clear_ibuf [dreg:s6], $0x5FFFF;
	_ =	strace $0x90000052  }
0xb2: {  	s29 =	simm.s32 $0x9;
	_ =	strace $0x80000054  }
0xb3: {  	_ =	swait.ge [sflag:s29], $0x1  }
0xb4: {  	[sflag:s29] =	ssyncadd.s32 $0xFFFFFFFF  }
0xb5: {  	_ =	strace $0x90000054  }
0xb6: {  	_ =	sfence  }
0xb7: {  	s30 =	sld [smem:$0x0];
	_ =	sdelay $0x2  }
0xb8: {  	s31 =	sshll.u32 s1, $0xD;
	s1 =	sshrl.u32 s1, $0x2  }
0xb9: {  	s3 =	sand.u32 $0x4000, s31;
	s1 =	sadd.s32 s1, s30  }
0xba: {  	s0 =	sor.u32 s3, s0;
	s1 =	sshll.u32 s1, $0x11  }
0xbb: {  	s0 =	sor.u32 s1, s0  }
0xbc: {  	s0 =	sadd.s32 $0x8F2B, s0  }
0xbd: {  	[sflag:s0] =	ssyncadd.remote.s32 $0x1  }
0xbe: {  	_ =	sfence.sel $0xFFFF  }
0xbf: {  	[dreg:$0x0] =	wrdreg $0xFFFFFFFF;
	(pc) =	sbr.abs _section_cstart, $3  }
0xc0: {  	[dreg:$0x1] =	wrdreg $0xFFFFFFFF  }
0xc1: {  	_ =	task.clear_ibuf [dreg:s6], $0x2FFFF;
	_ =	strace $0x9FFFFFFF  }
0xc2: {  	(tm) =	ssettm $0x7FFFFFFF  }
0xc3: {  	_ =	shalt  }
tec
execute0_lowered:
.L_overlay_start_1:
0x0: {  	(tag) =	ssettag $0x1  }
0x1: {  	s6 =	rddreg [dreg:$0x0]  }
0x2: {  	s2 =	rddreg [dreg:$0x1]  }
0x3: {  	s0 =	rddreg [dreg:$0x2]  }
0x4: {  	s3 =	srdreg.scid;
	s1 =	stileid.u32;
	s14 =	simm.s32 $0x80  }
0x5: {  	s15 =	simm.s32 $0x5A00;
	s16 =	simm.s32 $0x1;
	s17 =	simm.s32 $0x0  }
0x6: {  	s7 =	sand.u32 $0x1, s3;
	s4 =	sshll.u32 s1, $0x1;
	s9 =	smul.u32 $0x13C00, s1  }
0x7: {  	s3 =	simm.s32 $0x0;
	s31 =	sshll.u32 s1, $0x6;
	s4 =	sor.u32 s7, s4  }
0x8: {  	s5 =	smul.u32 $0x13C000, s7;
	[smem:$0x7FF] =	sst s3;
	s11 =	ssub.s32 $0x2, s7  }
0x9: {  	p0 =	seq.s32 s7, $0x0;
	s8 =	smul.u32 $0x5A0, s4;
	_ =	strace $0x80000053  }
0xa: {  	s4 =	sadd.s32 $0x2E400, s6;
	s12 =	sshrl.u32 s11, $0x1;
	s13 =	sadd.s32 s9, s2  }
0xb: {  	s5 =	sadd.s32 s9, s5;
	s11 =	ssub.s32 s11, s12;
	s12 =	sor.u32 $0x1C02, s31  }
0xc: {  	s13 =	sshrl.u32 s13, $0x3;
	s8 =	sadd.s32 s8, s6;
	s10 =	sshrl.u32 s5, $0x3  }
0xd: {  	s5 =	sadd.s32 $0x3E00, s6;
	s10 =	sadd.s32 s10, s6;
	s6 =	simm.s32 $0x5A  }
0xe: {  	s7 =	sadd.s32 $0x23000, s8;
	s8 =	sadd.s32 $0x17C00, s8;
	s6 =	simm.s32 @!p0 $0x43  }
0xf: {  	s9 =	sadd.s32 $0x55600, s10;
	s10 =	smax.u32 s11, $0x1;
	s11 =	simm.s32 $0x2  }
.LBB2_1:
0x10: {  	[tilespmem:s3], [sflag:$0x2] =	stream.linear.gather [hbm4b:s7+s3], $0x2D00, $0x38;
	[tilespmem:$0x1D600] =	vst v63  }
0x11: {  	_ =	swait.ge [sflag:s11], $0x2D00  }
0x12: {  	[sflag:s11] =	ssyncset.done $0x0  }
0x13: {  	s18 =	simm.s32 $0x2D00;
	[sflag:s11] =	ssyncadd.s32 $0xFFFFD300  }
0x14: {  	[tilespmem:s18], [sflag:$0x2] =	stream.linear.gather [hbm4b:s8+s3], $0x2D00, $0x38;
	[tilespmem:$0x1D600] =	vst v63  }
0x15: {  	_ =	swait.ge [sflag:s11], $0x2D00  }
0x16: {  	[sflag:s11] =	ssyncset.done $0x0  }
0x17: {  	[sflag:s11] =	ssyncadd.s32 $0xFFFFD300  }
0x18: {  	[spmem:s13], [sflag:s12] =	dma.local [hbm:s5], $0x2780  }
0x19: {  	_ =	swait.ge [sflag:s11], $0x2780  }
0x1a: {  	[sflag:s11] =	ssyncset.done $0x0  }
0x1b: {  	[sflag:s11] =	ssyncadd.s32 $0xFFFFD880  }
0x1c: {  	[bflag:$0x0] =	sbarrier.arrive $0xFFFF  }
0x1d: {  	[tilespmem:s15], [sflag:$0x1] =	stream.indirect.gather [hbm4b:s4+s14], $0x80, s3, s14, $0xb8;
	[tilespmem:$0x1D600] =	vst v63  }
0x1e: {  	p0 =	sne.s32 s6, $0x1;
	_ =	swait.ge [sflag:s16], $0x4000  }
.Ltmp0:
0x1f: {  	[sflag:s16] =	ssyncset.done $0x0;
	(pc) =	sbr.rel @!p0 .LBB2_3-.Ltmp0, $4  }
0x20: {  	[sflag:s16] =	ssyncadd.s32 $0xFFFFC000  }
0x21: {  	[spmem:s2] =	stream.indirect.scatter.add.f32 [tilespmem:s15], [sflag:$0x2], $0x80, s18, s14, $0xb8;
	[tilespmem:$0x1D600] =	vst v63  }
0x22: {  	_ =	swait.ge [sflag:s11], $0x4000  }
0x23: {  	s19 =	sadd.s32 $0xFFFFFFFF, s6;
	s20 =	simm.s32 $0x0;
	[sflag:s11] =	ssyncset.done $0x0  }
.LBB2_2:
0x24: {  	[sflag:s11] =	ssyncadd.s32 $0xFFFFC000;
	s20 =	sadd.s32 $0x80, s20;
	s18 =	sadd.s32 $0x80, s18  }
0x25: {  	[tilespmem:s15], [sflag:$0x1] =	stream.indirect.gather [hbm4b:s4+s14], $0x80, s20, s14, $0xb8;
	[tilespmem:$0x1D600] =	vst v63  }
0x26: {  	p0 =	sne.s32 s19, $0x1;
	s19 =	sadd.s32 $0xFFFFFFFF, s19;
	_ =	swait.ge [sflag:s16], $0x4000  }
.Ltmp1:
0x27: {  	[sflag:s16] =	ssyncset.done $0x0;
	(pc) =	sbr.rel @p0 .LBB2_2-.Ltmp1, $4  }
0x28: {  	[sflag:s16] =	ssyncadd.s32 $0xFFFFC000  }
0x29: {  	[spmem:s2] =	stream.indirect.scatter.add.f32 [tilespmem:s15], [sflag:$0x2], $0x80, s18, s14, $0xb8;
	[tilespmem:$0x1D600] =	vst v63  }
0x2a: {  	_ =	swait.ge [sflag:s11], $0x4000  }
0x2b: {  	[sflag:s11] =	ssyncset.done $0x0  }
.LBB2_3:
0x2c: {  	s17 =	sadd.s32 $0x1, s17  }
0x2d: {  	[sflag:s11] =	ssyncadd.s32 $0xFFFFC000;
	p0 =	sne.s32 s17, s10  }
.Ltmp2:
0x2e: {  	[bflag:$0x0] =	sbarrier.arrive $0xFFFF;
	(pc) =	sbr.rel @p0 .LBB2_1-.Ltmp2, $4  }
0x2f: {  	[hbm:s9], [sflag:s12] =	dma.local [spmem:s13], $0x2780  }
0x30: {  	_ =	swait.ge [sflag:s11], $0x2780  }
0x31: {  	[sflag:s11] =	ssyncset.done $0x0  }
0x32: {  	[sflag:s11] =	ssyncadd.s32 $0xFFFFD880  }
0x33: {  	_ =	sfence.sel $0x180000  }
0x34: {  	[bflag:$0x0] =	sbarrier.arrive $0xFFFF  }
0x35: {  	p0 =	sne.s32 s1, $0x0;
	_ =	strace $0x90000053  }
0x36: {  	s0 =	sadd.s32 @!p0 $0x100000, s0;
	[bflag:$0x2] =	sbarrier.arrive $0xFFFF  }
0x37: {  	[sflag:s0] =	ssyncadd.tile.s32 @!p0 $0x1;
	_ =	shalt  }
.Lfunc_end2:
_tile_overlayer_lowered:
.L_overlay_start_2:
0x38: {  	(tag) =	ssettag $0x2  }
0x39: {  	s0 =	rddreg [dreg:$0x0];
	s2 =	stileid.u32  }
0x3a: {  	s1 =	rddreg [dreg:$0x1];
	p0 =	sne.s32 s2, $0x0  }
0x3b: {  	s3 =	rddreg [dreg:$0x2];
	[bflag:$0x3] =	sbarrier.arrive $0xFFFF;
	s2 =	simm.s32 @!p0 $0x1C02  }
0x3c: {  	[timem:s3], [sflag:s2] =	dma.local @!p0 [hbm:s0], s1  }
0x3d: {  	s0 =	simm.s32 @!p0 $0x2  }
0x3e: {  	_ =	swait.ge @!p0 [sflag:s0], s1  }
0x3f: {  	s1 =	ssub.s32 @!p0 $0x0, s1;
	[sflag:s0] =	ssyncset.done @!p0 $0x0  }
0x40: {  	[sflag:s0] =	ssyncadd.s32 @!p0 s1  }
0x41: {  	[bflag:$0x3] =	sbarrier.arrive $0xFFFF  }
0x42: {  	_ =	shalt  }

// kernel: kernel.9.cloned.1.call-start
scs
__scs_entry_jumppad:
0x0: {  	(pc) =	sbr.rel $0x88, $3  }
0x1: {  	(tag) =	ssettag $0x0;
	lr =	simm.s32 $0x1  }
0x2: {  	[smem:$0x3F91] =	sst lr;
	_ =	strace $0xD0000000  }
0x3: {  	_ = 	snop  }
0x4: {  	_ = 	snop  }
0x5: {  	_ = 	snop  }
0x6: {  	_ = 	snop  }
0x7: {  	_ = 	snop  }
__scs_overlays_trampoline_lowered:
0x8: {  	[smem:$0x3FA0] =	sst s0  }
0x9: {  	[smem:$0x3FA1] =	sst s1  }
0xa: {  	[smem:$0x3FA2] =	sst s2  }
0xb: {  	[smem:$0x3FA3] =	sst s3  }
0xc: {  	[smem:$0x3FA4] =	sst s4  }
0xd: {  	[smem:$0x3FA5] =	sst s5  }
0xe: {  	[smem:$0x3FA6] =	sst s6  }
0xf: {  	[smem:$0x3FA7] =	sst s7  }
0x10: {  	[smem:$0x3FA8] =	sst s8  }
0x11: {  	[smem:$0x3FA9] =	sst s9;
	s0 =	simm.s32 @!p0 $0x0  }
0x12: {  	s1 =	sld [smem:$0x3F8F];
	s0 =	simm.s32 @p0 $0x1  }
0x13: {  	[smem:$0x3FAA] =	sst s0;
	s0 =	simm.s32 @!p1 $0x0  }
0x14: {  	s2 =	sld [smem:$0x3F8E];
	s0 =	simm.s32 @p1 $0x1  }
0x15: {  	[smem:$0x3FAB] =	sst s0;
	s0 =	simm.s32 @!p2 $0x0  }
0x16: {  	s3 =	sld [smem:$0x3FDB];
	s0 =	simm.s32 @p2 $0x1  }
0x17: {  	s4 =	simm.s32 $0x1BF5;
	[smem:$0x3FAD] =	sst s0  }
0x18: {  	s0 =	sld [smem:$0x3F90];
	_ =	swait.ge [sflag:s4], $0x0  }
0x19: {  	s7 =	sld [smem:$0x3F91]  }
0x1a: {  	s8 =	sadd.s32 $0xFFFFE003, lr  }
0x1b: {  	s9 =	sadd.s32 $0xFFFFFEF7, lr;
	s5 =	simm.s32 $0xFFFFFFFF;
	p2 =	slt.u32 s8, $0xFFFFF086  }
0x1c: {  	p1 =	slt.u32 s9, $0xF7A;
	s5 =	simm.s32 @!p2 $0x0  }
0x1d: {  	s5 =	simm.s32 @p1 $0x1;
	p0 =	seq.s32 s7, s2  }
0x1e: {  	s7 =	smul.u32 @!p0 $0xF7A, s2;
	p2 =	seq.s32 @!p0 s5, $0x0  }
0x1f: {  	s9 =	smul.u32 $0xF7A, s1;
	s8 =	simm.s32 @!p0 $0x1BF5;
	p2 =	por !p2, p0  }
0x20: {  	[sflag:s8] =	ssyncset.s32 @!p0 $0xFFFFF086;
	s6 =	sadd.s32 @!p0 s3, s7;
	s7 =	simm.s32 @!p0 $0x108  }
0x21: {  	s3 =	sadd.s32 s3, s9;
	s6 =	sadd.s32 @!p0 $0x88, s6;
	s7 =	simm.s32 @p2 $0x1082  }
0x22: {  	[simem:s7], [sflag:s8] =	dma.local @!p0 [hbm:s6], $0xF7A  }
0x23: {  	s9 =	sor.u32 $0xD0000000, s2;
	s6 =	simm.s32 $0x108;
	_ =	swait.ge @!p0 [sflag:s8], $0x0  }
0x24: {  	s3 =	sadd.s32 $0x88, s3;
	s6 =	simm.s32 @!p1 $0x1082;
	[sflag:s4] =	ssyncset.s32 $0xFFFFF086  }
0x25: {  	[simem:s6], [sflag:s4] =	dma.local [hbm:s3], $0xF7A  }
0x26: {  	[smem:$0x3F91] =	sst s1;
	(tag) =	ssettag s2;
	_ =	strace s9  }
0x27: {  	s1 =	sld [smem:$0x3FA1]  }
0x28: {  	s2 =	sld [smem:$0x3FA2]  }
0x29: {  	s4 =	sld [smem:$0x3FA4]  }
0x2a: {  	p0 =	seq.s32 s5, $0x0;
	s5 =	sld [smem:$0x3FA5]  }
0x2b: {  	s6 =	sld [smem:$0x3FA6]  }
0x2c: {  	s7 =	sld [smem:$0x3FA7]  }
0x2d: {  	s3 =	simm.s32 $0x108;
	s8 =	sld [smem:$0x3FA8]  }
0x2e: {  	s3 =	simm.s32 @!p0 $0x1082;
	s9 =	sld [smem:$0x3FA9]  }
0x2f: {  	lr =	sadd.s32 s0, s3;
	s0 =	sld [smem:$0x3FA0]  }
0x30: {  	s3 =	sld [smem:$0x3FA3]  }
0x31: {  	[smem:$0x3FAC] =	sst s10  }
0x32: {  	s10 =	sld [smem:$0x3FAA];
	_ =	sdelay $0x3  }
0x33: {  	p0 =	seq.s32 s10, $0x1;
	s10 =	sld [smem:$0x3FAC];
	_ =	sdelay $0x3  }
0x34: {  	[smem:$0x3FAC] =	sst s10  }
0x35: {  	s10 =	sld [smem:$0x3FAB];
	_ =	sdelay $0x3  }
0x36: {  	p1 =	seq.s32 s10, $0x1;
	s10 =	sld [smem:$0x3FAC];
	_ =	sdelay $0x3  }
0x37: {  	[smem:$0x3FAC] =	sst s10  }
0x38: {  	s10 =	sld [smem:$0x3FAD]  }
0x39: {  	_ = 	snop;
	(pc) =	sbr.ind lr, $3  }
0x3a: {  	_ = 	snop  }
0x3b: {  	_ = 	snop  }
0x3c: {  	p2 =	seq.s32 s10, $0x1;
	s10 =	sld [smem:$0x3FAC]  }
0x3d: {  	_ =	shalt  }
0x3e: {  	_ =	shalt  }
0x3f: {  	_ =	shalt  }
0x40: {  	_ =	shalt  }
0x41: {  	_ =	shalt  }
0x42: {  	_ =	shalt  }
0x43: {  	_ =	shalt  }
0x44: {  	_ =	shalt  }
0x45: {  	_ =	shalt  }
0x46: {  	_ =	shalt  }
0x47: {  	_ =	shalt  }
0x48: {  	_ =	shalt  }
0x49: {  	_ =	shalt  }
0x4a: {  	_ =	shalt  }
0x4b: {  	_ =	shalt  }
0x4c: {  	_ =	shalt  }
0x4d: {  	_ =	shalt  }
0x4e: {  	_ =	shalt  }
0x4f: {  	_ =	shalt  }
0x50: {  	_ =	shalt  }
0x51: {  	_ =	shalt  }
0x52: {  	_ =	shalt  }
0x53: {  	_ =	shalt  }
0x54: {  	_ =	shalt  }
0x55: {  	_ =	shalt  }
0x56: {  	_ =	shalt  }
0x57: {  	_ =	shalt  }
0x58: {  	_ =	shalt  }
0x59: {  	_ =	shalt  }
0x5a: {  	_ =	shalt  }
0x5b: {  	_ =	shalt  }
0x5c: {  	_ =	shalt  }
0x5d: {  	_ =	shalt  }
0x5e: {  	_ =	shalt  }
0x5f: {  	_ =	shalt  }
0x60: {  	_ =	shalt  }
0x61: {  	_ =	shalt  }
0x62: {  	_ =	shalt  }
0x63: {  	_ =	shalt  }
0x64: {  	_ =	shalt  }
0x65: {  	_ =	shalt  }
0x66: {  	_ =	shalt  }
0x67: {  	_ =	shalt  }
0x68: {  	_ =	shalt  }
0x69: {  	_ =	shalt  }
0x6a: {  	_ =	shalt  }
0x6b: {  	_ =	shalt  }
0x6c: {  	_ =	shalt  }
0x6d: {  	_ =	shalt  }
0x6e: {  	_ =	shalt  }
0x6f: {  	_ =	shalt  }
0x70: {  	_ =	shalt  }
0x71: {  	_ =	shalt  }
0x72: {  	_ =	shalt  }
0x73: {  	_ =	shalt  }
0x74: {  	_ =	shalt  }
0x75: {  	_ =	shalt  }
0x76: {  	_ =	shalt  }
0x77: {  	_ =	shalt  }
0x78: {  	_ =	shalt  }
0x79: {  	_ =	shalt  }
0x7a: {  	_ =	shalt  }
0x7b: {  	_ =	shalt  }
0x7c: {  	_ =	shalt  }
0x7d: {  	_ =	shalt  }
0x7e: {  	_ =	shalt  }
0x7f: {  	_ =	shalt  }
0x80: {  	_ =	shalt  }
0x81: {  	_ =	shalt  }
0x82: {  	_ =	shalt  }
0x83: {  	_ =	shalt  }
0x84: {  	_ =	shalt  }
0x85: {  	_ =	shalt  }
0x86: {  	_ =	shalt  }
0x87: {  	_ =	shalt  }
.Lfunc_end0:
.L_simem_size_0:
called_computation.2_lowered:
.L_overlay_start_0:
0x88: {  	s2 =	sld [smem:$0x3FD9]  }
0x89: {  	s3 =	sld [smem:$0x3FFE];
	_ =	sdelay $0x1  }
0x8a: {  	s1 =	srdreg.scid  }
0x8b: {  	s0 =	sand.u32 $0x1, s1  }
0x8c: {  	s16 =	sshll.u32 s0, $0xA;
	s2 =	sadd.s32 s3, s2  }
0x8d: {  	s2 =	sadd.s32 s2, s16  }
0x8e: {  	[smem:$0x3FB8] =	sst s2  }
0x8f: {  	_ = 	snop  }
0x90: {  	(tm) =	ssettm $0x1  }
0x91: {  	s17 =	sld [smem:$0x3FFB];
	_ =	sdelay $0x3  }
0x92: {  	_ =	strace s17  }
0x93: {  	s2 =	sld [smem:$0x3FFC];
	_ =	sdelay $0x3  }
0x94: {  	_ =	strace s2  }
0x95: {  	s2 =	sld [smem:$0x3FFD];
	_ =	sdelay $0x3  }
0x96: {  	_ =	strace s2  }
0x97: {  	_ =	strace $0x8FFFFFFF  }
0x98: {  	s18 =	sld [smem:$0x3FDB];
	_ =	sdelay $0x1  }
0x99: {  	s19 =	simm.s32 $_scs_section_size  }
0x9a: {  	s4 =	simm.s32 $_size__tile_overlayer_lowered;
	s5 =	simm.s32 $_tile_overlayer_lowered  }
0x9b: {  	s22 =	simm.s32 $0x1BFF;
	s21 =	sshll.u32 s5, $0x1;
	s2 =	sadd.s32 s19, s18  }
0x9c: {  	s6 =	simm.s32 $0x0;
	s20 =	sshll.u32 s4, $0x1;
	s4 =	sadd.s32 s21, s2  }
0x9d: {  	[timem:s6], [sflag:s22] =	dma.local [hbm:s4], s20  }
0x9e: {  	_ =	swait.ge [sflag:s22], s20  }
0x9f: {  	s3 =	ssub.s32 $0x0, s20;
	[sflag:s22] =	ssyncset.done $0x0  }
0xa0: {  	[sflag:s22] =	ssyncadd.s32 s3;
	_ =	sdelay $0x1  }
0xa1: {  	s23 =	simm.s32 $0x1B8B  }
0xa2: {  	_ =	swait.ge [sflag:s23], $0x1  }
0xa3: {  	[sflag:s23] =	ssyncset.done $0x0  }
0xa4: {  	s25 =	simm.s32 $0x1B8E;
	s24 =	sld [smem:$0x3FFE];
	[sflag:s23] =	ssyncadd.s32 $0xFFFFFFFF  }
0xa5: {  	s26 =	simm.s32 $execute0_lowered;
	[smem:$0x3FD2] =	sst s25  }
0xa6: {  	s4 =	sshll.u32 s26, $0x1;
	_ =	strace $0x8000004C;
	[dreg:$0x1] =	wrdreg $0xFFFFFFFF  }
0xa7: {  	s28 =	simm.s32 $_size_execute0_lowered;
	s2 =	sadd.s32 s2, s4;
	[dreg:$0x0] =	wrdreg $0x0  }
0xa8: {  	s4 =	sshll.u32 s28, $0x1;
	[dreg:$0x2] =	wrdreg s2  }
0xa9: {  	[dreg:$0x3] =	wrdreg s4  }
0xaa: {  	[dreg:$0x4] =	wrdreg $0xC0  }
0xab: {  	_ =	task [dreg:s6], $0x5FFFF  }
0xac: {  	[dreg:$0x1] =	wrdreg $0xFFFFFFFF  }
0xad: {  	[dreg:$0x0] =	wrdreg $0x60  }
0xae: {  	[dreg:$0x2] =	wrdreg s24  }
0xaf: {  	[dreg:$0x3] =	wrdreg $0x7A000  }
0xb0: {  	[dreg:$0x4] =	wrdreg $0x9  }
0xb1: {  	_ =	task.clear_ibuf [dreg:s6], $0x5FFFF;
	_ =	strace $0x9000004C  }
0xb2: {  	s29 =	simm.s32 $0x9;
	_ =	strace $0x8000004E  }
0xb3: {  	_ =	swait.ge [sflag:s29], $0x1  }
0xb4: {  	[sflag:s29] =	ssyncadd.s32 $0xFFFFFFFF  }
0xb5: {  	_ =	strace $0x9000004E  }
0xb6: {  	_ =	sfence  }
0xb7: {  	s30 =	sld [smem:$0x0];
	_ =	sdelay $0x2  }
0xb8: {  	s31 =	sshll.u32 s1, $0xD;
	s1 =	sshrl.u32 s1, $0x2  }
0xb9: {  	s3 =	sand.u32 $0x4000, s31;
	s1 =	sadd.s32 s1, s30  }
0xba: {  	s0 =	sor.u32 s3, s0;
	s1 =	sshll.u32 s1, $0x11  }
0xbb: {  	s0 =	sor.u32 s1, s0  }
0xbc: {  	s0 =	sadd.s32 $0x8F2B, s0  }
0xbd: {  	[sflag:s0] =	ssyncadd.remote.s32 $0x1  }
0xbe: {  	_ =	sfence.sel $0xFFFF  }
0xbf: {  	[dreg:$0x0] =	wrdreg $0xFFFFFFFF;
	(pc) =	sbr.abs _section_cstart, $3  }
0xc0: {  	[dreg:$0x1] =	wrdreg $0xFFFFFFFF  }
0xc1: {  	_ =	task.clear_ibuf [dreg:s6], $0x2FFFF;
	_ =	strace $0x9FFFFFFF  }
0xc2: {  	(tm) =	ssettm $0x7FFFFFFF  }
0xc3: {  	_ =	shalt  }
tec
execute0_lowered:
.L_overlay_start_1:
0x0: {  	(tag) =	ssettag $0x1  }
0x1: {  	s6 =	rddreg [dreg:$0x0]  }
0x2: {  	s2 =	rddreg [dreg:$0x1]  }
0x3: {  	s0 =	rddreg [dreg:$0x2]  }
0x4: {  	s3 =	srdreg.scid;
	s1 =	stileid.u32;
	s14 =	simm.s32 $0x80  }
0x5: {  	s15 =	simm.s32 $0x5A00;
	s16 =	simm.s32 $0x1;
	s17 =	simm.s32 $0x0  }
0x6: {  	s7 =	sand.u32 $0x1, s3;
	s4 =	sshll.u32 s1, $0x1;
	s9 =	smul.u32 $0x9E00, s1  }
0x7: {  	s3 =	simm.s32 $0x0;
	s31 =	sshll.u32 s1, $0x6;
	s4 =	sor.u32 s7, s4  }
0x8: {  	s5 =	smul.u32 $0x9E000, s7;
	[smem:$0x7FF] =	sst s3;
	s11 =	ssub.s32 $0x2, s7  }
0x9: {  	p0 =	seq.s32 s7, $0x0;
	s8 =	smul.u32 $0x5A0, s4;
	_ =	strace $0x8000004D  }
0xa: {  	s4 =	sadd.s32 $0x2E400, s6;
	s12 =	sshrl.u32 s11, $0x1;
	s13 =	sadd.s32 s9, s2  }
0xb: {  	s5 =	sadd.s32 s9, s5;
	s11 =	ssub.s32 s11, s12;
	s12 =	sor.u32 $0x1C02, s31  }
0xc: {  	s13 =	sshrl.u32 s13, $0x3;
	s8 =	sadd.s32 s8, s6;
	s10 =	sshrl.u32 s5, $0x3  }
0xd: {  	s5 =	sadd.s32 $0x3E00, s6;
	s10 =	sadd.s32 s10, s6;
	s6 =	simm.s32 $0x5A  }
0xe: {  	s7 =	sadd.s32 $0x23000, s8;
	s8 =	sadd.s32 $0x17C00, s8;
	s6 =	simm.s32 @!p0 $0x43  }
0xf: {  	s9 =	sadd.s32 $0x41E00, s10;
	s10 =	smax.u32 s11, $0x1;
	s11 =	simm.s32 $0x2  }
.LBB2_1:
0x10: {  	[tilespmem:s3], [sflag:$0x2] =	stream.linear.gather [hbm4b:s7+s3], $0x2D00, $0x38;
	[tilespmem:$0x11800] =	vst v63  }
0x11: {  	_ =	swait.ge [sflag:s11], $0x2D00  }
0x12: {  	[sflag:s11] =	ssyncset.done $0x0  }
0x13: {  	s18 =	simm.s32 $0x2D00;
	[sflag:s11] =	ssyncadd.s32 $0xFFFFD300  }
0x14: {  	[tilespmem:s18], [sflag:$0x2] =	stream.linear.gather [hbm4b:s8+s3], $0x2D00, $0x38;
	[tilespmem:$0x11800] =	vst v63  }
0x15: {  	_ =	swait.ge [sflag:s11], $0x2D00  }
0x16: {  	[sflag:s11] =	ssyncset.done $0x0  }
0x17: {  	[sflag:s11] =	ssyncadd.s32 $0xFFFFD300  }
0x18: {  	[spmem:s13], [sflag:s12] =	dma.local [hbm:s5], $0x13C0  }
0x19: {  	_ =	swait.ge [sflag:s11], $0x13C0  }
0x1a: {  	[sflag:s11] =	ssyncset.done $0x0  }
0x1b: {  	[sflag:s11] =	ssyncadd.s32 $0xFFFFEC40  }
0x1c: {  	[bflag:$0x0] =	sbarrier.arrive $0xFFFF  }
0x1d: {  	[tilespmem:s15], [sflag:$0x1] =	stream.indirect.gather [hbm4b:s4+s14], $0x40, s3, s14, $0xb8;
	[tilespmem:$0x11800] =	vst v63  }
0x1e: {  	p0 =	sne.s32 s6, $0x1;
	_ =	swait.ge [sflag:s16], $0x2000  }
.Ltmp0:
0x1f: {  	[sflag:s16] =	ssyncset.done $0x0;
	(pc) =	sbr.rel @!p0 .LBB2_3-.Ltmp0, $4  }
0x20: {  	[sflag:s16] =	ssyncadd.s32 $0xFFFFE000  }
0x21: {  	[spmem:s2] =	stream.indirect.scatter.add.f32 [tilespmem:s15], [sflag:$0x2], $0x40, s18, s14, $0xb8;
	[tilespmem:$0x11800] =	vst v63  }
0x22: {  	_ =	swait.ge [sflag:s11], $0x2000  }
0x23: {  	s19 =	sadd.s32 $0xFFFFFFFF, s6;
	s20 =	simm.s32 $0x0;
	[sflag:s11] =	ssyncset.done $0x0  }
.LBB2_2:
0x24: {  	[sflag:s11] =	ssyncadd.s32 $0xFFFFE000;
	s20 =	sadd.s32 $0x80, s20;
	s18 =	sadd.s32 $0x80, s18  }
0x25: {  	[tilespmem:s15], [sflag:$0x1] =	stream.indirect.gather [hbm4b:s4+s14], $0x40, s20, s14, $0xb8;
	[tilespmem:$0x11800] =	vst v63  }
0x26: {  	p0 =	sne.s32 s19, $0x1;
	s19 =	sadd.s32 $0xFFFFFFFF, s19;
	_ =	swait.ge [sflag:s16], $0x2000  }
.Ltmp1:
0x27: {  	[sflag:s16] =	ssyncset.done $0x0;
	(pc) =	sbr.rel @p0 .LBB2_2-.Ltmp1, $4  }
0x28: {  	[sflag:s16] =	ssyncadd.s32 $0xFFFFE000  }
0x29: {  	[spmem:s2] =	stream.indirect.scatter.add.f32 [tilespmem:s15], [sflag:$0x2], $0x40, s18, s14, $0xb8;
	[tilespmem:$0x11800] =	vst v63  }
0x2a: {  	_ =	swait.ge [sflag:s11], $0x2000  }
0x2b: {  	[sflag:s11] =	ssyncset.done $0x0  }
.LBB2_3:
0x2c: {  	s17 =	sadd.s32 $0x1, s17  }
0x2d: {  	[sflag:s11] =	ssyncadd.s32 $0xFFFFE000;
	p0 =	sne.s32 s17, s10  }
.Ltmp2:
0x2e: {  	[bflag:$0x0] =	sbarrier.arrive $0xFFFF;
	(pc) =	sbr.rel @p0 .LBB2_1-.Ltmp2, $4  }
0x2f: {  	[hbm:s9], [sflag:s12] =	dma.local [spmem:s13], $0x13C0  }
0x30: {  	_ =	swait.ge [sflag:s11], $0x13C0  }
0x31: {  	[sflag:s11] =	ssyncset.done $0x0  }
0x32: {  	[sflag:s11] =	ssyncadd.s32 $0xFFFFEC40  }
0x33: {  	_ =	sfence.sel $0x180000  }
0x34: {  	[bflag:$0x0] =	sbarrier.arrive $0xFFFF  }
0x35: {  	p0 =	sne.s32 s1, $0x0;
	_ =	strace $0x9000004D  }
0x36: {  	s0 =	sadd.s32 @!p0 $0x100000, s0;
	[bflag:$0x2] =	sbarrier.arrive $0xFFFF  }
0x37: {  	[sflag:s0] =	ssyncadd.tile.s32 @!p0 $0x1;
	_ =	shalt  }
.Lfunc_end2:
_tile_overlayer_lowered:
.L_overlay_start_2:
0x38: {  	(tag) =	ssettag $0x2  }
0x39: {  	s0 =	rddreg [dreg:$0x0];
	s2 =	stileid.u32  }
0x3a: {  	s1 =	rddreg [dreg:$0x1];
	p0 =	sne.s32 s2, $0x0  }
0x3b: {  	s3 =	rddreg [dreg:$0x2];
	[bflag:$0x3] =	sbarrier.arrive $0xFFFF;
	s2 =	simm.s32 @!p0 $0x1C02  }
0x3c: {  	[timem:s3], [sflag:s2] =	dma.local @!p0 [hbm:s0], s1  }
0x3d: {  	s0 =	simm.s32 @!p0 $0x2  }
0x3e: {  	_ =	swait.ge @!p0 [sflag:s0], s1  }
0x3f: {  	s1 =	ssub.s32 @!p0 $0x0, s1;
	[sflag:s0] =	ssyncset.done @!p0 $0x0  }
0x40: {  	[sflag:s0] =	ssyncadd.s32 @!p0 s1  }
0x41: {  	[bflag:$0x3] =	sbarrier.arrive $0xFFFF  }
0x42: {  	_ =	shalt  }

</sc_bundles>
